<compile_context>
chip_gen: v7x
topology: tpu7x:2x2x1
jax: 0.10.2.dev20260603
libtpu: 0.0.44.dev20260713+nightly
codegen_flags: <defaults>
</compile_context>

<pallas_src>
import jax
import jax.numpy as jnp
from jax import lax
from jax.experimental import pallas as pl
from jax.experimental.pallas import tpu as pltpu
from jax.experimental.pallas import tpu_sc as plsc

N_NODES = 10000
N_EDGES = 320000
D = 128
DH = D // 2
BN_EPS = 1e-5
LEAKY_SLOPE = 0.01

NC = 2
NS = 16
CHUNK = 320
CPB = 8
NBLK = 8
CPW = NBLK * CPB
E_PAD = NS * CPW * CHUNK
N_PAD = 10112
ROWS_PER_TILE = N_PAD // NS


LAST_ROWS = N_NODES - (NS - 1) * ROWS_PER_TILE


def _sc_scatter_sum(h, src, dst, zinit):

    def body(h_hbm, src_hbm, dst_hbm, z_hbm, out_hbm,
             idx_s, idx_d, rows_a, rows_b, sem_a, sem_b, h_sh, aggr):
        c = lax.axis_index("c")
        s = lax.axis_index("s")
        r0 = s * ROWS_PER_TILE
        c0 = c * DH

        @pl.when(s < NS - 1)
        def _():
            pltpu.sync_copy(h_hbm.at[pl.ds(r0, ROWS_PER_TILE), pl.ds(c0, DH)],
                            h_sh.at[pl.ds(r0, ROWS_PER_TILE)])

        @pl.when(s == NS - 1)
        def _():
            pltpu.sync_copy(
                h_hbm.at[pl.ds((NS - 1) * ROWS_PER_TILE, LAST_ROWS),
                         pl.ds(c0, DH)],
                h_sh.at[pl.ds((NS - 1) * ROWS_PER_TILE, LAST_ROWS)])

        pltpu.sync_copy(z_hbm.at[pl.ds(r0, ROWS_PER_TILE)],
                        aggr.at[pl.ds(r0, ROWS_PER_TILE)])
        plsc.subcore_barrier()

        def blk_body(b, carry0):
            b0 = pl.multiple_of(b * CPB, CPB)
            pltpu.sync_copy(src_hbm.at[s, pl.ds(b0, CPB)], idx_s)
            pltpu.sync_copy(dst_hbm.at[s, pl.ds(b0, CPB)], idx_d)
            pltpu.async_copy(h_sh.at[idx_s.at[0]], rows_a, sem_a)

            def step(k, carry):
                i = 2 * k
                j = i + 1
                pltpu.async_copy(h_sh.at[idx_s.at[j]], rows_b, sem_b)
                pltpu.make_async_copy(
                    h_sh.at[idx_s.at[i]], rows_a, sem_a).wait()
                pltpu.sync_copy(rows_a, aggr.at[idx_d.at[i]], add=True)

                @pl.when(k < (CPB // 2 - 1))
                def _():
                    pltpu.async_copy(h_sh.at[idx_s.at[j + 1]], rows_a, sem_a)

                pltpu.make_async_copy(
                    h_sh.at[idx_s.at[j]], rows_b, sem_b).wait()
                pltpu.sync_copy(rows_b, aggr.at[idx_d.at[j]], add=True)
                return carry

            lax.fori_loop(0, CPB // 2, step, 0)
            return carry0

        lax.fori_loop(0, NBLK, blk_body, 0)
        plsc.subcore_barrier()
        pltpu.sync_copy(aggr.at[pl.ds(r0, ROWS_PER_TILE)],
                        out_hbm.at[c, pl.ds(r0, ROWS_PER_TILE)])

    mesh = plsc.VectorSubcoreMesh(core_axis_name="c", subcore_axis_name="s")
    run = pl.kernel(
        body,
        out_type=jax.ShapeDtypeStruct((NC, N_PAD, DH), jnp.float32),
        mesh=mesh,
        compiler_params=pltpu.CompilerParams(use_tc_tiling_on_sc=False),
        scratch_types=[
            pltpu.VMEM((CPB, CHUNK), jnp.int32),
            pltpu.VMEM((CPB, CHUNK), jnp.int32),
            pltpu.VMEM((CHUNK, DH), jnp.float32),
            pltpu.VMEM((CHUNK, DH), jnp.float32),
            pltpu.SemaphoreType.DMA,
            pltpu.SemaphoreType.DMA,
            pltpu.VMEM_SHARED((N_PAD, DH), jnp.float32),
            pltpu.VMEM_SHARED((N_PAD, DH), jnp.float32),
        ],
    )
    return run(h, src, dst, zinit)


def _tc_body(h_ref, p_ref, w1_ref, b1_ref, w2_ref, b2_ref,
             g_ref, bt_ref, out_ref):
    h = h_ref[...]
    pf = p_ref[...]
    rst = h + jnp.concatenate([pf[0, :N_NODES], pf[1, :N_NODES]], axis=1)
    z = jnp.maximum(
        jnp.dot(rst, w1_ref[...], preferred_element_type=jnp.float32)
        + b1_ref[...], 0.0)
    z = jnp.dot(z, w2_ref[...], preferred_element_type=jnp.float32) + b2_ref[...]
    mean = jnp.mean(z, axis=0, keepdims=True)
    d = z - mean
    var = jnp.mean(d * d, axis=0, keepdims=True)
    zn = d * lax.rsqrt(var + BN_EPS) * g_ref[...] + bt_ref[...]
    zn = jnp.where(zn >= 0, zn, LEAKY_SLOPE * zn)
    out_ref[...] = h + zn


def kernel(h, edge_index, W1, b1, W2, b2, gamma, beta):
    src = edge_index[0].astype(jnp.int32)
    dst = edge_index[1].astype(jnp.int32)
    pad = E_PAD - N_EDGES
    src = jnp.concatenate([src, jnp.zeros((pad,), jnp.int32)])
    dst = jnp.concatenate([dst, jnp.full((pad,), N_NODES, jnp.int32)])
    src = src.reshape(NS, CPW, CHUNK)
    dst = dst.reshape(NS, CPW, CHUNK)
    zinit = jnp.zeros((N_PAD, DH), jnp.float32)

    partials = _sc_scatter_sum(h, src, dst, zinit)

    out = pl.pallas_call(
        _tc_body,
        out_shape=jax.ShapeDtypeStruct((N_NODES, D), jnp.float32),
    )(h, partials, W1, b1.reshape(1, D), W2, b2.reshape(1, D),
      gamma.reshape(1, D), beta.reshape(1, D))
    return out

# --- scband reference (transcript-rebuilt; emitter-appended) ---
"""Pipeline reference for scband-ginlayer-5901285065185 (READ-ONLY COPY).

The authoritative reference and input builder live on the scoring server;
editing this copy changes nothing except your own understanding.
"""

import jax, jax.numpy as jnp
import numpy as np

N_NODES = 10000
N_EDGES = 320000
D = 128
INIT_EPS = 0.0
LEAKY_SLOPE = 0.01
BN_EPS = 1e-5


def setup_inputs(seed: int = 0) -> dict:
    key = jax.random.key(seed)
    k_h, k_e, k_w1, k_b1, k_w2, k_b2 = jax.random.split(key, 6)
    h = jax.random.normal(k_h, (N_NODES, D), dtype=jnp.float32)
    edge_index = jax.random.randint(k_e, (2, N_EDGES), 0, N_NODES, dtype=jnp.int64)
    # apply_func MLP: Linear(D,D) -> ReLU -> Linear(D,D)
    W1 = jax.random.normal(k_w1, (D, D), dtype=jnp.float32) * (1.0 / np.sqrt(D))
    b1 = jnp.zeros((D,), dtype=jnp.float32)
    W2 = jax.random.normal(k_w2, (D, D), dtype=jnp.float32) * (1.0 / np.sqrt(D))
    b2 = jnp.zeros((D,), dtype=jnp.float32)
    # batch norm affine params
    gamma = jnp.ones((D,), dtype=jnp.float32)
    beta = jnp.zeros((D,), dtype=jnp.float32)
    return {"h": h, "edge_index": edge_index, "W1": W1, "b1": b1, "W2": W2, "b2": b2, "gamma": gamma, "beta": beta}


def reference(h, edge_index, W1, b1, W2, b2, gamma, beta):
    h_in = h
    src = edge_index[0]
    dst = edge_index[1]
    # GINConv sum aggregation: aggr[dst] += h[src]
    msgs = jnp.take(h, src, axis=0)
    aggr = jax.ops.segment_sum(msgs, dst, num_segments=N_NODES)
    rst = (1.0 + INIT_EPS) * h + aggr
    # apply_func MLP
    z = jnp.maximum(rst @ W1 + b1, 0.0)
    z = z @ W2 + b2
    # BatchNorm1d (training-mode batch statistics)
    mean = jnp.mean(z, axis=0)
    var = jnp.var(z, axis=0)
    z = (z - mean) / jnp.sqrt(var + BN_EPS) * gamma + beta
    # leaky_relu activation
    z = jnp.where(z >= 0, z, LEAKY_SLOPE * z)
    # residual (in_dim == out_dim)
    z = h_in + z
    # dropout p=0.0 -> identity
    return z

if __name__ == "__main__":
    import jax
    _d = setup_inputs()
    print(jax.jit(kernel)(*tuple(_d.values())))

</pallas_src>

<mosaic_0001>
#map = affine_map<(d0, d1) -> (0, 0)>
#map1 = affine_map<(d0, d1) -> (0, 0, 0)>
module attributes {stable_mosaic.version = 14 : i64} {
  func.func @body(%arg0: i32, %arg1: i32, %arg2: memref<10000x128xf32, #tpu.memory_space<hbm>>, %arg3: memref<16x64x320xi32, #tpu.memory_space<hbm>>, %arg4: memref<16x64x320xi32, #tpu.memory_space<hbm>>, %arg5: memref<10112x64xf32, #tpu.memory_space<hbm>>, %arg6: memref<2x10112x64xf32, #tpu.memory_space<hbm>>, %arg7: memref<8x320xi32, #tpu.memory_space<vmem>>, %arg8: memref<8x320xi32, #tpu.memory_space<vmem>>, %arg9: memref<320x64xf32, #tpu.memory_space<vmem>>, %arg10: memref<320x64xf32, #tpu.memory_space<vmem>>, %arg11: memref<!tpu.dma_semaphore, #tpu.memory_space<semaphore_mem>>, %arg12: memref<!tpu.dma_semaphore, #tpu.memory_space<semaphore_mem>>, %arg13: memref<10112x64xf32, #tpu.memory_space<vmem_shared>>, %arg14: memref<10112x64xf32, #tpu.memory_space<vmem_shared>>) attributes {dimension_semantics = [#tpu.dimension_semantics<core_parallel>, #tpu.dimension_semantics<subcore_parallel>], iteration_bounds = array<i64: 2, 16>, scalar_prefetch = 0 : i64, scratch_operands = 8 : i64, tpu.core_type = #tpu.core_type<sc_vector_subcore>, window_params = [{transform_indices = #map}, {transform_indices = #map1}, {transform_indices = #map1}, {transform_indices = #map}, {transform_indices = #map1}]} {
    %mul3A = arith.constant 632 : i32
    %mul3A_0 = arith.muli %arg1, %mul3A : i32
    %mul3A_1 = arith.constant 64 : i32
    %mul3A_2 = arith.muli %arg0, %mul3A_1 : i32
    %lt3A = arith.constant 15 : i32
    %lt3A_3 = arith.cmpi slt, %arg1, %lt3A : i32
    %convert_element_type3A = arith.extui %lt3A_3 : i1 to i32
    %cond3A = arith.constant 0 : i32
    %cond3A_4 = arith.cmpi ne, %convert_element_type3A, %cond3A : i32
    scf.if %cond3A_4 {
      "tpu.region"() ({
        %run_scoped3A = tpu.sem_alloc : memref<!tpu.dma_semaphore, #tpu.memory_space<semaphore_mem>>
        %dma_start3A = arith.constant 0 : i32
        %dma_start3A_15 = tpu.memref_slice %arg13[%mul3A_0, %dma_start3A] : memref<10112x64xf32, #tpu.memory_space<vmem_shared>> -> memref<632x64xf32, #tpu.memory_space<vmem_shared>>
        %dma_start3A_16 = tpu.memref_slice %arg2[%mul3A_0, %mul3A_2] : memref<10000x128xf32, #tpu.memory_space<hbm>> -> memref<632x64xf32, #tpu.memory_space<hbm>>
        tpu.enqueue_dma source(%dma_start3A_16 : memref<632x64xf32, #tpu.memory_space<hbm>>) target(%dma_start3A_15 : memref<632x64xf32, #tpu.memory_space<vmem_shared>>) target_semaphore(%run_scoped3A : memref<!tpu.dma_semaphore, #tpu.memory_space<semaphore_mem>>)
        %dma_wait3A = arith.constant 0 : i32
        %dma_wait3A_17 = tpu.memref_slice %arg13[%mul3A_0, %dma_wait3A] : memref<10112x64xf32, #tpu.memory_space<vmem_shared>> -> memref<632x64xf32, #tpu.memory_space<vmem_shared>>
        %dma_wait3A_18 = tpu.memref_slice %arg2[%mul3A_0, %mul3A_2] : memref<10000x128xf32, #tpu.memory_space<hbm>> -> memref<632x64xf32, #tpu.memory_space<hbm>>
        tpu.wait_dma2 semaphore(%run_scoped3A : memref<!tpu.dma_semaphore, #tpu.memory_space<semaphore_mem>>) src(%dma_wait3A_18 : memref<632x64xf32, #tpu.memory_space<hbm>>) dst(%dma_wait3A_17 : memref<632x64xf32, #tpu.memory_space<vmem_shared>>)
        tpu.yield
      }) : () -> ()
    } else {
    }
    %eq3A = arith.constant 15 : i32
    %eq3A_5 = arith.cmpi eq, %arg1, %eq3A : i32
    %convert_element_type3A_6 = arith.extui %eq3A_5 : i1 to i32
    %cond3A_7 = arith.constant 0 : i32
    %cond3A_8 = arith.cmpi ne, %convert_element_type3A_6, %cond3A_7 : i32
    scf.if %cond3A_8 {
      "tpu.region"() ({
        %run_scoped3A = tpu.sem_alloc : memref<!tpu.dma_semaphore, #tpu.memory_space<semaphore_mem>>
        %dma_start3A = arith.constant 9480 : i32
        %dma_start3A_15 = arith.constant 0 : i32
        %dma_start3A_16 = tpu.memref_slice %arg13[%dma_start3A, %dma_start3A_15] : memref<10112x64xf32, #tpu.memory_space<vmem_shared>> -> memref<520x64xf32, #tpu.memory_space<vmem_shared>>
        %dma_start3A_17 = arith.constant 9480 : i32
        %dma_start3A_18 = tpu.memref_slice %arg2[%dma_start3A_17, %mul3A_2] : memref<10000x128xf32, #tpu.memory_space<hbm>> -> memref<520x64xf32, #tpu.memory_space<hbm>>
        tpu.enqueue_dma source(%dma_start3A_18 : memref<520x64xf32, #tpu.memory_space<hbm>>) target(%dma_start3A_16 : memref<520x64xf32, #tpu.memory_space<vmem_shared>>) target_semaphore(%run_scoped3A : memref<!tpu.dma_semaphore, #tpu.memory_space<semaphore_mem>>)
        %dma_wait3A = arith.constant 9480 : i32
        %dma_wait3A_19 = arith.constant 0 : i32
        %dma_wait3A_20 = tpu.memref_slice %arg13[%dma_wait3A, %dma_wait3A_19] : memref<10112x64xf32, #tpu.memory_space<vmem_shared>> -> memref<520x64xf32, #tpu.memory_space<vmem_shared>>
        %dma_wait3A_21 = arith.constant 9480 : i32
        %dma_wait3A_22 = tpu.memref_slice %arg2[%dma_wait3A_21, %mul3A_2] : memref<10000x128xf32, #tpu.memory_space<hbm>> -> memref<520x64xf32, #tpu.memory_space<hbm>>
        tpu.wait_dma2 semaphore(%run_scoped3A : memref<!tpu.dma_semaphore, #tpu.memory_space<semaphore_mem>>) src(%dma_wait3A_22 : memref<520x64xf32, #tpu.memory_space<hbm>>) dst(%dma_wait3A_20 : memref<520x64xf32, #tpu.memory_space<vmem_shared>>)
        tpu.yield
      }) : () -> ()
    } else {
    }
    "tpu.region"() ({
      %run_scoped3A = tpu.sem_alloc : memref<!tpu.dma_semaphore, #tpu.memory_space<semaphore_mem>>
      %dma_start3A = arith.constant 0 : i32
      %dma_start3A_15 = tpu.memref_slice %arg14[%mul3A_0, %dma_start3A] : memref<10112x64xf32, #tpu.memory_space<vmem_shared>> -> memref<632x64xf32, #tpu.memory_space<vmem_shared>>
      %dma_start3A_16 = arith.constant 0 : i32
      %dma_start3A_17 = tpu.memref_slice %arg5[%mul3A_0, %dma_start3A_16] : memref<10112x64xf32, #tpu.memory_space<hbm>> -> memref<632x64xf32, #tpu.memory_space<hbm>>
      tpu.enqueue_dma source(%dma_start3A_17 : memref<632x64xf32, #tpu.memory_space<hbm>>) target(%dma_start3A_15 : memref<632x64xf32, #tpu.memory_space<vmem_shared>>) target_semaphore(%run_scoped3A : memref<!tpu.dma_semaphore, #tpu.memory_space<semaphore_mem>>)
      %dma_wait3A = arith.constant 0 : i32
      %dma_wait3A_18 = tpu.memref_slice %arg14[%mul3A_0, %dma_wait3A] : memref<10112x64xf32, #tpu.memory_space<vmem_shared>> -> memref<632x64xf32, #tpu.memory_space<vmem_shared>>
      %dma_wait3A_19 = arith.constant 0 : i32
      %dma_wait3A_20 = tpu.memref_slice %arg5[%mul3A_0, %dma_wait3A_19] : memref<10112x64xf32, #tpu.memory_space<hbm>> -> memref<632x64xf32, #tpu.memory_space<hbm>>
      tpu.wait_dma2 semaphore(%run_scoped3A : memref<!tpu.dma_semaphore, #tpu.memory_space<semaphore_mem>>) src(%dma_wait3A_20 : memref<632x64xf32, #tpu.memory_space<hbm>>) dst(%dma_wait3A_18 : memref<632x64xf32, #tpu.memory_space<vmem_shared>>)
      tpu.yield
    }) : () -> ()
    %barrier3A = arith.constant 0 : index
    tpu.barrier barrier_id(%barrier3A)
    %scan3A = arith.constant 0 : i32
    %scan3A_9 = arith.constant 0 : i32
    %scan3A_10 = arith.constant 8 : i32
    %scan3A_11 = arith.addi %scan3A_9, %scan3A_10 : i32
    %scan3A_12 = arith.constant 1 : i32
    scf.for %scan3A_15 = %scan3A_9 to %scan3A_11 step %scan3A_12  : i32 {
      %mul3A_16 = arith.constant 8 : i32
      %mul3A_17 = arith.muli %scan3A_15, %mul3A_16 : i32
      %multiple_of3A = tpu.assume_multiple %mul3A_17, 8 : i32
      "tpu.region"() ({
        %run_scoped3A = tpu.sem_alloc : memref<!tpu.dma_semaphore, #tpu.memory_space<semaphore_mem>>
        %dma_start3A_30 = arith.constant 0 : i32
        %dma_start3A_31 = tpu.memref_slice %arg3[%arg1, %multiple_of3A, %dma_start3A_30] : memref<16x64x320xi32, #tpu.memory_space<hbm>> -> memref<1x8x320xi32, #tpu.memory_space<hbm>>
        %dma_start3A_32 = tpu.memref_squeeze %dma_start3A_31 : memref<1x8x320xi32, #tpu.memory_space<hbm>> -> memref<8x320xi32, #tpu.memory_space<hbm>>
        %dma_start3A_33 = arith.constant 0 : i32
        %dma_start3A_34 = tpu.memref_slice %arg3[%arg1, %multiple_of3A, %dma_start3A_33] : memref<16x64x320xi32, #tpu.memory_space<hbm>> -> memref<1x8x320xi32, #tpu.memory_space<hbm>>
        %dma_start3A_35 = tpu.memref_squeeze %dma_start3A_34 : memref<1x8x320xi32, #tpu.memory_space<hbm>> -> memref<8x320xi32, #tpu.memory_space<hbm>>
        tpu.enqueue_dma source(%dma_start3A_35 : memref<8x320xi32, #tpu.memory_space<hbm>>) target(%arg7 : memref<8x320xi32, #tpu.memory_space<vmem>>) target_semaphore(%run_scoped3A : memref<!tpu.dma_semaphore, #tpu.memory_space<semaphore_mem>>)
        %dma_wait3A = arith.constant 0 : i32
        %dma_wait3A_36 = tpu.memref_slice %arg3[%arg1, %multiple_of3A, %dma_wait3A] : memref<16x64x320xi32, #tpu.memory_space<hbm>> -> memref<1x8x320xi32, #tpu.memory_space<hbm>>
        %dma_wait3A_37 = tpu.memref_squeeze %dma_wait3A_36 : memref<1x8x320xi32, #tpu.memory_space<hbm>> -> memref<8x320xi32, #tpu.memory_space<hbm>>
        %dma_wait3A_38 = arith.constant 0 : i32
        %dma_wait3A_39 = tpu.memref_slice %arg3[%arg1, %multiple_of3A, %dma_wait3A_38] : memref<16x64x320xi32, #tpu.memory_space<hbm>> -> memref<1x8x320xi32, #tpu.memory_space<hbm>>
        %dma_wait3A_40 = tpu.memref_squeeze %dma_wait3A_39 : memref<1x8x320xi32, #tpu.memory_space<hbm>> -> memref<8x320xi32, #tpu.memory_space<hbm>>
        tpu.wait_dma2 semaphore(%run_scoped3A : memref<!tpu.dma_semaphore, #tpu.memory_space<semaphore_mem>>) src(%dma_wait3A_40 : memref<8x320xi32, #tpu.memory_space<hbm>>) dst(%arg7 : memref<8x320xi32, #tpu.memory_space<vmem>>)
        tpu.yield
      }) : () -> ()
      "tpu.region"() ({
        %run_scoped3A = tpu.sem_alloc : memref<!tpu.dma_semaphore, #tpu.memory_space<semaphore_mem>>
        %dma_start3A_30 = arith.constant 0 : i32
        %dma_start3A_31 = tpu.memref_slice %arg4[%arg1, %multiple_of3A, %dma_start3A_30] : memref<16x64x320xi32, #tpu.memory_space<hbm>> -> memref<1x8x320xi32, #tpu.memory_space<hbm>>
        %dma_start3A_32 = tpu.memref_squeeze %dma_start3A_31 : memref<1x8x320xi32, #tpu.memory_space<hbm>> -> memref<8x320xi32, #tpu.memory_space<hbm>>
        %dma_start3A_33 = arith.constant 0 : i32
        %dma_start3A_34 = tpu.memref_slice %arg4[%arg1, %multiple_of3A, %dma_start3A_33] : memref<16x64x320xi32, #tpu.memory_space<hbm>> -> memref<1x8x320xi32, #tpu.memory_space<hbm>>
        %dma_start3A_35 = tpu.memref_squeeze %dma_start3A_34 : memref<1x8x320xi32, #tpu.memory_space<hbm>> -> memref<8x320xi32, #tpu.memory_space<hbm>>
        tpu.enqueue_dma source(%dma_start3A_35 : memref<8x320xi32, #tpu.memory_space<hbm>>) target(%arg8 : memref<8x320xi32, #tpu.memory_space<vmem>>) target_semaphore(%run_scoped3A : memref<!tpu.dma_semaphore, #tpu.memory_space<semaphore_mem>>)
        %dma_wait3A = arith.constant 0 : i32
        %dma_wait3A_36 = tpu.memref_slice %arg4[%arg1, %multiple_of3A, %dma_wait3A] : memref<16x64x320xi32, #tpu.memory_space<hbm>> -> memref<1x8x320xi32, #tpu.memory_space<hbm>>
        %dma_wait3A_37 = tpu.memref_squeeze %dma_wait3A_36 : memref<1x8x320xi32, #tpu.memory_space<hbm>> -> memref<8x320xi32, #tpu.memory_space<hbm>>
        %dma_wait3A_38 = arith.constant 0 : i32
        %dma_wait3A_39 = tpu.memref_slice %arg4[%arg1, %multiple_of3A, %dma_wait3A_38] : memref<16x64x320xi32, #tpu.memory_space<hbm>> -> memref<1x8x320xi32, #tpu.memory_space<hbm>>
        %dma_wait3A_40 = tpu.memref_squeeze %dma_wait3A_39 : memref<1x8x320xi32, #tpu.memory_space<hbm>> -> memref<8x320xi32, #tpu.memory_space<hbm>>
        tpu.wait_dma2 semaphore(%run_scoped3A : memref<!tpu.dma_semaphore, #tpu.memory_space<semaphore_mem>>) src(%dma_wait3A_40 : memref<8x320xi32, #tpu.memory_space<hbm>>) dst(%arg8 : memref<8x320xi32, #tpu.memory_space<vmem>>)
        tpu.yield
      }) : () -> ()
      %dma_start3A = arith.constant 0 : i32
      %dma_start3A_18 = arith.constant 0 : i32
      %dma_start3A_19 = tpu.memref_slice %arg7[%dma_start3A, %dma_start3A_18] : memref<8x320xi32, #tpu.memory_space<vmem>> -> memref<1x320xi32, #tpu.memory_space<vmem>>
      %dma_start3A_20 = tpu.memref_squeeze %dma_start3A_19 : memref<1x320xi32, #tpu.memory_space<vmem>> -> memref<320xi32, #tpu.memory_space<vmem>>
      %dma_start3A_21 = arith.constant 0 : i32
      %dma_start3A_22 = arith.constant 0 : i32
      %dma_start3A_23 = tpu.memref_slice %arg13[%dma_start3A_21, %dma_start3A_22] : memref<10112x64xf32, #tpu.memory_space<vmem_shared>> -> memref<10112x64xf32, #tpu.memory_space<vmem_shared>>
      tpu.enqueue_indirect_dma source(%dma_start3A_23 : memref<10112x64xf32, #tpu.memory_space<vmem_shared>>) target(%arg9 : memref<320x64xf32, #tpu.memory_space<vmem>>) offsets(%dma_start3A_20 : memref<320xi32, #tpu.memory_space<vmem>>) semaphore(%arg11 : memref<!tpu.dma_semaphore, #tpu.memory_space<semaphore_mem>>)
      %scan3A_24 = arith.constant 0 : i32
      %scan3A_25 = arith.constant 0 : i32
      %scan3A_26 = arith.constant 4 : i32
      %scan3A_27 = arith.addi %scan3A_25, %scan3A_26 : i32
      %scan3A_28 = arith.constant 1 : i32
      scf.for %scan3A_30 = %scan3A_25 to %scan3A_27 step %scan3A_28  : i32 {
        %mul3A_31 = arith.constant 2 : i32
        %mul3A_32 = arith.muli %mul3A_31, %scan3A_30 : i32
        %add3A = arith.constant 1 : i32
        %add3A_33 = arith.addi %mul3A_32, %add3A : i32
        %dma_start3A_34 = arith.constant 0 : i32
        %dma_start3A_35 = tpu.memref_slice %arg7[%add3A_33, %dma_start3A_34] : memref<8x320xi32, #tpu.memory_space<vmem>> -> memref<1x320xi32, #tpu.memory_space<vmem>>
        %dma_start3A_36 = tpu.memref_squeeze %dma_start3A_35 : memref<1x320xi32, #tpu.memory_space<vmem>> -> memref<320xi32, #tpu.memory_space<vmem>>
        %dma_start3A_37 = arith.constant 0 : i32
        %dma_start3A_38 = arith.constant 0 : i32
        %dma_start3A_39 = tpu.memref_slice %arg13[%dma_start3A_37, %dma_start3A_38] : memref<10112x64xf32, #tpu.memory_space<vmem_shared>> -> memref<10112x64xf32, #tpu.memory_space<vmem_shared>>
        tpu.enqueue_indirect_dma source(%dma_start3A_39 : memref<10112x64xf32, #tpu.memory_space<vmem_shared>>) target(%arg10 : memref<320x64xf32, #tpu.memory_space<vmem>>) offsets(%dma_start3A_36 : memref<320xi32, #tpu.memory_space<vmem>>) semaphore(%arg12 : memref<!tpu.dma_semaphore, #tpu.memory_space<semaphore_mem>>)
        %dma_wait3A = arith.constant 0 : i32
        %dma_wait3A_40 = tpu.memref_slice %arg7[%mul3A_32, %dma_wait3A] : memref<8x320xi32, #tpu.memory_space<vmem>> -> memref<1x320xi32, #tpu.memory_space<vmem>>
        %dma_wait3A_41 = tpu.memref_squeeze %dma_wait3A_40 : memref<1x320xi32, #tpu.memory_space<vmem>> -> memref<320xi32, #tpu.memory_space<vmem>>
        %dma_wait3A_42 = arith.constant 0 : i32
        %dma_wait3A_43 = arith.constant 0 : i32
        %dma_wait3A_44 = tpu.memref_slice %arg13[%dma_wait3A_42, %dma_wait3A_43] : memref<10112x64xf32, #tpu.memory_space<vmem_shared>> -> memref<10112x64xf32, #tpu.memory_space<vmem_shared>>
        tpu.wait_indirect_dma semaphore(%arg11 : memref<!tpu.dma_semaphore, #tpu.memory_space<semaphore_mem>>) src(%dma_wait3A_44 : memref<10112x64xf32, #tpu.memory_space<vmem_shared>>) dst(%arg9 : memref<320x64xf32, #tpu.memory_space<vmem>>)
        "tpu.region"() ({
          %run_scoped3A = tpu.sem_alloc : memref<!tpu.dma_semaphore, #tpu.memory_space<semaphore_mem>>
          %dma_start3A_56 = arith.constant 0 : i32
          %dma_start3A_57 = tpu.memref_slice %arg8[%mul3A_32, %dma_start3A_56] : memref<8x320xi32, #tpu.memory_space<vmem>> -> memref<1x320xi32, #tpu.memory_space<vmem>>
          %dma_start3A_58 = tpu.memref_squeeze %dma_start3A_57 : memref<1x320xi32, #tpu.memory_space<vmem>> -> memref<320xi32, #tpu.memory_space<vmem>>
          %dma_start3A_59 = arith.constant 0 : i32
          %dma_start3A_60 = arith.constant 0 : i32
          %dma_start3A_61 = tpu.memref_slice %arg14[%dma_start3A_59, %dma_start3A_60] : memref<10112x64xf32, #tpu.memory_space<vmem_shared>> -> memref<10112x64xf32, #tpu.memory_space<vmem_shared>>
          tpu.enqueue_indirect_dma source(%arg9 : memref<320x64xf32, #tpu.memory_space<vmem>>) target(%dma_start3A_61 : memref<10112x64xf32, #tpu.memory_space<vmem_shared>>) offsets(%dma_start3A_58 : memref<320xi32, #tpu.memory_space<vmem>>) semaphore(%run_scoped3A : memref<!tpu.dma_semaphore, #tpu.memory_space<semaphore_mem>>) {add = true}
          %dma_wait3A_62 = arith.constant 0 : i32
          %dma_wait3A_63 = tpu.memref_slice %arg8[%mul3A_32, %dma_wait3A_62] : memref<8x320xi32, #tpu.memory_space<vmem>> -> memref<1x320xi32, #tpu.memory_space<vmem>>
          %dma_wait3A_64 = tpu.memref_squeeze %dma_wait3A_63 : memref<1x320xi32, #tpu.memory_space<vmem>> -> memref<320xi32, #tpu.memory_space<vmem>>
          %dma_wait3A_65 = arith.constant 0 : i32
          %dma_wait3A_66 = arith.constant 0 : i32
          %dma_wait3A_67 = tpu.memref_slice %arg14[%dma_wait3A_65, %dma_wait3A_66] : memref<10112x64xf32, #tpu.memory_space<vmem_shared>> -> memref<10112x64xf32, #tpu.memory_space<vmem_shared>>
          tpu.wait_indirect_dma semaphore(%run_scoped3A : memref<!tpu.dma_semaphore, #tpu.memory_space<semaphore_mem>>) src(%arg9 : memref<320x64xf32, #tpu.memory_space<vmem>>) dst(%dma_wait3A_67 : memref<10112x64xf32, #tpu.memory_space<vmem_shared>>)
          tpu.yield
        }) : () -> ()
        %lt3A_45 = arith.constant 3 : i32
        %lt3A_46 = arith.cmpi slt, %scan3A_30, %lt3A_45 : i32
        %convert_element_type3A_47 = arith.extui %lt3A_46 : i1 to i32
        %cond3A_48 = arith.constant 0 : i32
        %cond3A_49 = arith.cmpi ne, %convert_element_type3A_47, %cond3A_48 : i32
        scf.if %cond3A_49 {
          %add3A_56 = arith.constant 1 : i32
          %add3A_57 = arith.addi %add3A_33, %add3A_56 : i32
          %dma_start3A_58 = arith.constant 0 : i32
          %dma_start3A_59 = tpu.memref_slice %arg7[%add3A_57, %dma_start3A_58] : memref<8x320xi32, #tpu.memory_space<vmem>> -> memref<1x320xi32, #tpu.memory_space<vmem>>
          %dma_start3A_60 = tpu.memref_squeeze %dma_start3A_59 : memref<1x320xi32, #tpu.memory_space<vmem>> -> memref<320xi32, #tpu.memory_space<vmem>>
          %dma_start3A_61 = arith.constant 0 : i32
          %dma_start3A_62 = arith.constant 0 : i32
          %dma_start3A_63 = tpu.memref_slice %arg13[%dma_start3A_61, %dma_start3A_62] : memref<10112x64xf32, #tpu.memory_space<vmem_shared>> -> memref<10112x64xf32, #tpu.memory_space<vmem_shared>>
          tpu.enqueue_indirect_dma source(%dma_start3A_63 : memref<10112x64xf32, #tpu.memory_space<vmem_shared>>) target(%arg9 : memref<320x64xf32, #tpu.memory_space<vmem>>) offsets(%dma_start3A_60 : memref<320xi32, #tpu.memory_space<vmem>>) semaphore(%arg11 : memref<!tpu.dma_semaphore, #tpu.memory_space<semaphore_mem>>)
        } else {
        }
        %dma_wait3A_50 = arith.constant 0 : i32
        %dma_wait3A_51 = tpu.memref_slice %arg7[%add3A_33, %dma_wait3A_50] : memref<8x320xi32, #tpu.memory_space<vmem>> -> memref<1x320xi32, #tpu.memory_space<vmem>>
        %dma_wait3A_52 = tpu.memref_squeeze %dma_wait3A_51 : memref<1x320xi32, #tpu.memory_space<vmem>> -> memref<320xi32, #tpu.memory_space<vmem>>
        %dma_wait3A_53 = arith.constant 0 : i32
        %dma_wait3A_54 = arith.constant 0 : i32
        %dma_wait3A_55 = tpu.memref_slice %arg13[%dma_wait3A_53, %dma_wait3A_54] : memref<10112x64xf32, #tpu.memory_space<vmem_shared>> -> memref<10112x64xf32, #tpu.memory_space<vmem_shared>>
        tpu.wait_indirect_dma semaphore(%arg12 : memref<!tpu.dma_semaphore, #tpu.memory_space<semaphore_mem>>) src(%dma_wait3A_55 : memref<10112x64xf32, #tpu.memory_space<vmem_shared>>) dst(%arg10 : memref<320x64xf32, #tpu.memory_space<vmem>>)
        "tpu.region"() ({
          %run_scoped3A = tpu.sem_alloc : memref<!tpu.dma_semaphore, #tpu.memory_space<semaphore_mem>>
          %dma_start3A_56 = arith.constant 0 : i32
          %dma_start3A_57 = tpu.memref_slice %arg8[%add3A_33, %dma_start3A_56] : memref<8x320xi32, #tpu.memory_space<vmem>> -> memref<1x320xi32, #tpu.memory_space<vmem>>
          %dma_start3A_58 = tpu.memref_squeeze %dma_start3A_57 : memref<1x320xi32, #tpu.memory_space<vmem>> -> memref<320xi32, #tpu.memory_space<vmem>>
          %dma_start3A_59 = arith.constant 0 : i32
          %dma_start3A_60 = arith.constant 0 : i32
          %dma_start3A_61 = tpu.memref_slice %arg14[%dma_start3A_59, %dma_start3A_60] : memref<10112x64xf32, #tpu.memory_space<vmem_shared>> -> memref<10112x64xf32, #tpu.memory_space<vmem_shared>>
          tpu.enqueue_indirect_dma source(%arg10 : memref<320x64xf32, #tpu.memory_space<vmem>>) target(%dma_start3A_61 : memref<10112x64xf32, #tpu.memory_space<vmem_shared>>) offsets(%dma_start3A_58 : memref<320xi32, #tpu.memory_space<vmem>>) semaphore(%run_scoped3A : memref<!tpu.dma_semaphore, #tpu.memory_space<semaphore_mem>>) {add = true}
          %dma_wait3A_62 = arith.constant 0 : i32
          %dma_wait3A_63 = tpu.memref_slice %arg8[%add3A_33, %dma_wait3A_62] : memref<8x320xi32, #tpu.memory_space<vmem>> -> memref<1x320xi32, #tpu.memory_space<vmem>>
          %dma_wait3A_64 = tpu.memref_squeeze %dma_wait3A_63 : memref<1x320xi32, #tpu.memory_space<vmem>> -> memref<320xi32, #tpu.memory_space<vmem>>
          %dma_wait3A_65 = arith.constant 0 : i32
          %dma_wait3A_66 = arith.constant 0 : i32
          %dma_wait3A_67 = tpu.memref_slice %arg14[%dma_wait3A_65, %dma_wait3A_66] : memref<10112x64xf32, #tpu.memory_space<vmem_shared>> -> memref<10112x64xf32, #tpu.memory_space<vmem_shared>>
          tpu.wait_indirect_dma semaphore(%run_scoped3A : memref<!tpu.dma_semaphore, #tpu.memory_space<semaphore_mem>>) src(%arg10 : memref<320x64xf32, #tpu.memory_space<vmem>>) dst(%dma_wait3A_67 : memref<10112x64xf32, #tpu.memory_space<vmem_shared>>)
          tpu.yield
        }) : () -> ()
      }
      %scan3A_29 = arith.constant 4 : i32
    }
    %scan3A_13 = arith.constant 8 : i32
    %barrier3A_14 = arith.constant 0 : index
    tpu.barrier barrier_id(%barrier3A_14)
    "tpu.region"() ({
      %run_scoped3A = tpu.sem_alloc : memref<!tpu.dma_semaphore, #tpu.memory_space<semaphore_mem>>
      %dma_start3A = arith.constant 0 : i32
      %dma_start3A_15 = tpu.memref_slice %arg6[%arg0, %mul3A_0, %dma_start3A] : memref<2x10112x64xf32, #tpu.memory_space<hbm>> -> memref<1x632x64xf32, #tpu.memory_space<hbm>>
      %dma_start3A_16 = tpu.memref_squeeze %dma_start3A_15 : memref<1x632x64xf32, #tpu.memory_space<hbm>> -> memref<632x64xf32, #tpu.memory_space<hbm>>
      %dma_start3A_17 = arith.constant 0 : i32
      %dma_start3A_18 = tpu.memref_slice %arg14[%mul3A_0, %dma_start3A_17] : memref<10112x64xf32, #tpu.memory_space<vmem_shared>> -> memref<632x64xf32, #tpu.memory_space<vmem_shared>>
      tpu.enqueue_dma source(%dma_start3A_18 : memref<632x64xf32, #tpu.memory_space<vmem_shared>>) target(%dma_start3A_16 : memref<632x64xf32, #tpu.memory_space<hbm>>) target_semaphore(%run_scoped3A : memref<!tpu.dma_semaphore, #tpu.memory_space<semaphore_mem>>)
      %dma_wait3A = arith.constant 0 : i32
      %dma_wait3A_19 = tpu.memref_slice %arg6[%arg0, %mul3A_0, %dma_wait3A] : memref<2x10112x64xf32, #tpu.memory_space<hbm>> -> memref<1x632x64xf32, #tpu.memory_space<hbm>>
      %dma_wait3A_20 = tpu.memref_squeeze %dma_wait3A_19 : memref<1x632x64xf32, #tpu.memory_space<hbm>> -> memref<632x64xf32, #tpu.memory_space<hbm>>
      %dma_wait3A_21 = arith.constant 0 : i32
      %dma_wait3A_22 = tpu.memref_slice %arg14[%mul3A_0, %dma_wait3A_21] : memref<10112x64xf32, #tpu.memory_space<vmem_shared>> -> memref<632x64xf32, #tpu.memory_space<vmem_shared>>
      tpu.wait_dma2 semaphore(%run_scoped3A : memref<!tpu.dma_semaphore, #tpu.memory_space<semaphore_mem>>) src(%dma_wait3A_22 : memref<632x64xf32, #tpu.memory_space<vmem_shared>>) dst(%dma_wait3A_20 : memref<632x64xf32, #tpu.memory_space<hbm>>)
      tpu.yield
    }) : () -> ()
    return
  }
}

module attributes {stable_mosaic.version = 14 : i64} {
  func.func @_tc_body(%arg0: memref<10000x128xf32, #tpu.memory_space<vmem>>, %arg1: memref<2x10112x64xf32, #tpu.memory_space<vmem>>, %arg2: memref<128x128xf32, #tpu.memory_space<vmem>>, %arg3: memref<1x128xf32, #tpu.memory_space<vmem>>, %arg4: memref<128x128xf32, #tpu.memory_space<vmem>>, %arg5: memref<1x128xf32, #tpu.memory_space<vmem>>, %arg6: memref<1x128xf32, #tpu.memory_space<vmem>>, %arg7: memref<1x128xf32, #tpu.memory_space<vmem>>, %arg8: memref<10000x128xf32, #tpu.memory_space<vmem>>) attributes {dimension_semantics = [], scalar_prefetch = 0 : i64, scratch_operands = 0 : i64, tpu.core_type = #tpu.core_type<tc>} {
    %get3A = arith.constant 0 : index
    %get3A_0 = arith.constant 0 : index
    %get3A_1 = vector.load %arg0[%get3A, %get3A_0] : memref<10000x128xf32, #tpu.memory_space<vmem>>, vector<10000x128xf32>
    %get3A_2 = arith.constant 0 : index
    %get3A_3 = arith.constant 0 : index
    %get3A_4 = arith.constant 0 : index
    %get3A_5 = vector.load %arg1[%get3A_2, %get3A_3, %get3A_4] : memref<2x10112x64xf32, #tpu.memory_space<vmem>>, vector<2x10112x64xf32>
    %slice3A = vector.extract_strided_slice %get3A_5 {offsets = [0, 0, 0], sizes = [1, 10000, 64], strides = [1, 1, 1]} : vector<2x10112x64xf32> to vector<1x10000x64xf32>
    %squeeze3A = vector.shape_cast %slice3A : vector<1x10000x64xf32> to vector<10000x64xf32>
    %slice3A_6 = vector.extract_strided_slice %get3A_5 {offsets = [1, 0, 0], sizes = [1, 10000, 64], strides = [1, 1, 1]} : vector<2x10112x64xf32> to vector<1x10000x64xf32>
    %squeeze3A_7 = vector.shape_cast %slice3A_6 : vector<1x10000x64xf32> to vector<10000x64xf32>
    %concatenate3A = tpu.concatenate %squeeze3A, %squeeze3A_7 in 1 : vector<10000x64xf32>, vector<10000x64xf32> -> vector<10000x128xf32>
    %add3A = arith.addf %get3A_1, %concatenate3A : vector<10000x128xf32>
    %get3A_8 = arith.constant 0 : index
    %get3A_9 = arith.constant 0 : index
    %get3A_10 = vector.load %arg2[%get3A_8, %get3A_9] : memref<128x128xf32, #tpu.memory_space<vmem>>, vector<128x128xf32>
    %dot_general3A = arith.constant dense<0.000000e+00> : vector<10000x128xf32>
    %dot_general3A_11 = tpu.matmul %add3A, %get3A_10, %dot_general3A {dimension_numbers = #tpu.dot_dimension_numbers<[1], [0], [0], [1], [0, 0, 1, 1], [], []>, transpose_lhs_hint = false} : vector<10000x128xf32>, vector<128x128xf32>, vector<10000x128xf32> -> vector<10000x128xf32>
    %get3A_12 = arith.constant 0 : index
    %get3A_13 = arith.constant 0 : index
    %get3A_14 = vector.load %arg3[%get3A_12, %get3A_13] : memref<1x128xf32, #tpu.memory_space<vmem>>, vector<1x128xf32>
    %add3A_15 = vector.broadcast %get3A_14 : vector<1x128xf32> to vector<10000x128xf32>
    %add3A_16 = arith.addf %dot_general3A_11, %add3A_15 : vector<10000x128xf32>
    %max3A = arith.constant 0.000000e+00 : f32
    %max3A_17 = vector.broadcast %max3A : f32 to vector<10000x128xf32>
    %max3A_18 = arith.maximumf %add3A_16, %max3A_17 : vector<10000x128xf32>
    %get3A_19 = arith.constant 0 : index
    %get3A_20 = arith.constant 0 : index
    %get3A_21 = vector.load %arg4[%get3A_19, %get3A_20] : memref<128x128xf32, #tpu.memory_space<vmem>>, vector<128x128xf32>
    %dot_general3A_22 = arith.constant dense<0.000000e+00> : vector<10000x128xf32>
    %dot_general3A_23 = tpu.matmul %max3A_18, %get3A_21, %dot_general3A_22 {dimension_numbers = #tpu.dot_dimension_numbers<[1], [0], [0], [1], [0, 0, 1, 1], [], []>, transpose_lhs_hint = false} : vector<10000x128xf32>, vector<128x128xf32>, vector<10000x128xf32> -> vector<10000x128xf32>
    %get3A_24 = arith.constant 0 : index
    %get3A_25 = arith.constant 0 : index
    %get3A_26 = vector.load %arg5[%get3A_24, %get3A_25] : memref<1x128xf32, #tpu.memory_space<vmem>>, vector<1x128xf32>
    %add3A_27 = vector.broadcast %get3A_26 : vector<1x128xf32> to vector<10000x128xf32>
    %add3A_28 = arith.addf %dot_general3A_23, %add3A_27 : vector<10000x128xf32>
    %reduce_sum3A = arith.constant dense<0.000000e+00> : vector<128xf32>
    %reduce_sum3A_29 = vector.multi_reduction <add>, %add3A_28, %reduce_sum3A [0] : vector<10000x128xf32> to vector<128xf32>
    %broadcast_in_dim3A = vector.shape_cast %reduce_sum3A_29 : vector<128xf32> to vector<1x128xf32>
    %div3A = arith.constant 1.000000e+04 : f32
    %div3A_30 = vector.broadcast %div3A : f32 to vector<1x128xf32>
    %div3A_31 = arith.divf %broadcast_in_dim3A, %div3A_30 : vector<1x128xf32>
    %sub3A = vector.broadcast %div3A_31 : vector<1x128xf32> to vector<10000x128xf32>
    %sub3A_32 = arith.subf %add3A_28, %sub3A : vector<10000x128xf32>
    %mul3A = arith.mulf %sub3A_32, %sub3A_32 : vector<10000x128xf32>
    %reduce_sum3A_33 = arith.constant dense<0.000000e+00> : vector<128xf32>
    %reduce_sum3A_34 = vector.multi_reduction <add>, %mul3A, %reduce_sum3A_33 [0] : vector<10000x128xf32> to vector<128xf32>
    %broadcast_in_dim3A_35 = vector.shape_cast %reduce_sum3A_34 : vector<128xf32> to vector<1x128xf32>
    %div3A_36 = arith.constant 1.000000e+04 : f32
    %div3A_37 = vector.broadcast %div3A_36 : f32 to vector<1x128xf32>
    %div3A_38 = arith.divf %broadcast_in_dim3A_35, %div3A_37 : vector<1x128xf32>
    %add3A_39 = arith.constant 9.99999974E-6 : f32
    %add3A_40 = vector.broadcast %add3A_39 : f32 to vector<1x128xf32>
    %add3A_41 = arith.addf %div3A_38, %add3A_40 : vector<1x128xf32>
    %rsqrt3A = math.rsqrt %add3A_41 : vector<1x128xf32>
    %mul3A_42 = vector.broadcast %rsqrt3A : vector<1x128xf32> to vector<10000x128xf32>
    %mul3A_43 = arith.mulf %sub3A_32, %mul3A_42 : vector<10000x128xf32>
    %get3A_44 = arith.constant 0 : index
    %get3A_45 = arith.constant 0 : index
    %get3A_46 = vector.load %arg6[%get3A_44, %get3A_45] : memref<1x128xf32, #tpu.memory_space<vmem>>, vector<1x128xf32>
    %mul3A_47 = vector.broadcast %get3A_46 : vector<1x128xf32> to vector<10000x128xf32>
    %mul3A_48 = arith.mulf %mul3A_43, %mul3A_47 : vector<10000x128xf32>
    %get3A_49 = arith.constant 0 : index
    %get3A_50 = arith.constant 0 : index
    %get3A_51 = vector.load %arg7[%get3A_49, %get3A_50] : memref<1x128xf32, #tpu.memory_space<vmem>>, vector<1x128xf32>
    %add3A_52 = vector.broadcast %get3A_51 : vector<1x128xf32> to vector<10000x128xf32>
    %add3A_53 = arith.addf %mul3A_48, %add3A_52 : vector<10000x128xf32>
    %ge3A = arith.constant 0.000000e+00 : f32
    %ge3A_54 = vector.broadcast %ge3A : f32 to vector<10000x128xf32>
    %ge3A_55 = arith.cmpf oge, %add3A_53, %ge3A_54 : vector<10000x128xf32>
    %mul3A_56 = arith.constant 0.00999999977 : f32
    %mul3A_57 = vector.broadcast %mul3A_56 : f32 to vector<10000x128xf32>
    %mul3A_58 = arith.mulf %mul3A_57, %add3A_53 : vector<10000x128xf32>
    %select_n3A = arith.select %ge3A_55, %add3A_53, %mul3A_58 : vector<10000x128xi1>, vector<10000x128xf32>
    %add3A_59 = arith.addf %get3A_1, %select_n3A : vector<10000x128xf32>
    %swap3A = arith.constant 0 : index
    %swap3A_60 = arith.constant 0 : index
    %swap3A_61 = vector.load %arg8[%swap3A, %swap3A_60] : memref<10000x128xf32, #tpu.memory_space<vmem>>, vector<10000x128xf32>
    tpu.vector_store %arg8[%swap3A, %swap3A_60], %add3A_59 {strides = array<i32>} : memref<10000x128xf32, #tpu.memory_space<vmem>>, vector<10000x128xf32>,
    return
  }
}

</mosaic_0001>

<sc_bundles>
// kernel: kernel.4.cloned.1.call-start
scs
__scs_entry_jumppad:
0x0: {  	(pc) =	sbr.rel $0x88, $3  }
0x1: {  	(tag) =	ssettag $0x0;
	lr =	simm.s32 $0x1  }
0x2: {  	[smem:$0x3F99] =	sst lr;
	_ =	strace $0xD0000000  }
0x3: {  	_ = 	snop  }
0x4: {  	_ = 	snop  }
0x5: {  	_ = 	snop  }
0x6: {  	_ = 	snop  }
0x7: {  	_ = 	snop  }
__scs_overlays_trampoline_lowered:
0x8: {  	[smem:$0x3FA8] =	sst s0  }
0x9: {  	[smem:$0x3FA9] =	sst s1  }
0xa: {  	[smem:$0x3FAA] =	sst s2  }
0xb: {  	[smem:$0x3FAB] =	sst s3  }
0xc: {  	[smem:$0x3FAC] =	sst s4  }
0xd: {  	[smem:$0x3FAD] =	sst s5  }
0xe: {  	[smem:$0x3FAE] =	sst s6  }
0xf: {  	[smem:$0x3FAF] =	sst s7  }
0x10: {  	[smem:$0x3FB0] =	sst s8  }
0x11: {  	[smem:$0x3FB1] =	sst s9;
	s0 =	simm.s32 @!p0 $0x0  }
0x12: {  	s1 =	sld [smem:$0x3F97];
	s0 =	simm.s32 @p0 $0x1  }
0x13: {  	[smem:$0x3FB2] =	sst s0;
	s0 =	simm.s32 @!p1 $0x0  }
0x14: {  	s2 =	sld [smem:$0x3F96];
	s0 =	simm.s32 @p1 $0x1  }
0x15: {  	[smem:$0x3FB3] =	sst s0;
	s0 =	simm.s32 @!p2 $0x0  }
0x16: {  	s3 =	sld [smem:$0x3FDB];
	s0 =	simm.s32 @p2 $0x1  }
0x17: {  	s4 =	simm.s32 $0x1BF5;
	[smem:$0x3FB5] =	sst s0  }
0x18: {  	s0 =	sld [smem:$0x3F98];
	_ =	swait.ge [sflag:s4], $0x0  }
0x19: {  	s7 =	sld [smem:$0x3F99]  }
0x1a: {  	s8 =	sadd.s32 $0xFFFFE003, lr  }
0x1b: {  	s9 =	sadd.s32 $0xFFFFFEF7, lr;
	s5 =	simm.s32 $0xFFFFFFFF;
	p2 =	slt.u32 s8, $0xFFFFF086  }
0x1c: {  	p1 =	slt.u32 s9, $0xF7A;
	s5 =	simm.s32 @!p2 $0x0  }
0x1d: {  	s5 =	simm.s32 @p1 $0x1;
	p0 =	seq.s32 s7, s2  }
0x1e: {  	s7 =	smul.u32 @!p0 $0xF7A, s2;
	p2 =	seq.s32 @!p0 s5, $0x0  }
0x1f: {  	s9 =	smul.u32 $0xF7A, s1;
	s8 =	simm.s32 @!p0 $0x1BF5;
	p2 =	por !p2, p0  }
0x20: {  	[sflag:s8] =	ssyncset.s32 @!p0 $0xFFFFF086;
	s6 =	sadd.s32 @!p0 s3, s7;
	s7 =	simm.s32 @!p0 $0x108  }
0x21: {  	s3 =	sadd.s32 s3, s9;
	s6 =	sadd.s32 @!p0 $0x88, s6;
	s7 =	simm.s32 @p2 $0x1082  }
0x22: {  	[simem:s7], [sflag:s8] =	dma.local @!p0 [hbm:s6], $0xF7A  }
0x23: {  	s9 =	sor.u32 $0xD0000000, s2;
	s6 =	simm.s32 $0x108;
	_ =	swait.ge @!p0 [sflag:s8], $0x0  }
0x24: {  	s3 =	sadd.s32 $0x88, s3;
	s6 =	simm.s32 @!p1 $0x1082;
	[sflag:s4] =	ssyncset.s32 $0xFFFFF086  }
0x25: {  	[simem:s6], [sflag:s4] =	dma.local [hbm:s3], $0xF7A  }
0x26: {  	[smem:$0x3F99] =	sst s1;
	(tag) =	ssettag s2;
	_ =	strace s9  }
0x27: {  	s1 =	sld [smem:$0x3FA9]  }
0x28: {  	s2 =	sld [smem:$0x3FAA]  }
0x29: {  	s4 =	sld [smem:$0x3FAC]  }
0x2a: {  	p0 =	seq.s32 s5, $0x0;
	s5 =	sld [smem:$0x3FAD]  }
0x2b: {  	s6 =	sld [smem:$0x3FAE]  }
0x2c: {  	s7 =	sld [smem:$0x3FAF]  }
0x2d: {  	s3 =	simm.s32 $0x108;
	s8 =	sld [smem:$0x3FB0]  }
0x2e: {  	s3 =	simm.s32 @!p0 $0x1082;
	s9 =	sld [smem:$0x3FB1]  }
0x2f: {  	lr =	sadd.s32 s0, s3;
	s0 =	sld [smem:$0x3FA8]  }
0x30: {  	s3 =	sld [smem:$0x3FAB]  }
0x31: {  	[smem:$0x3FB4] =	sst s10  }
0x32: {  	s10 =	sld [smem:$0x3FB2];
	_ =	sdelay $0x3  }
0x33: {  	p0 =	seq.s32 s10, $0x1;
	s10 =	sld [smem:$0x3FB4];
	_ =	sdelay $0x3  }
0x34: {  	[smem:$0x3FB4] =	sst s10  }
0x35: {  	s10 =	sld [smem:$0x3FB3];
	_ =	sdelay $0x3  }
0x36: {  	p1 =	seq.s32 s10, $0x1;
	s10 =	sld [smem:$0x3FB4];
	_ =	sdelay $0x3  }
0x37: {  	[smem:$0x3FB4] =	sst s10  }
0x38: {  	s10 =	sld [smem:$0x3FB5]  }
0x39: {  	_ = 	snop;
	(pc) =	sbr.ind lr, $3  }
0x3a: {  	_ = 	snop  }
0x3b: {  	_ = 	snop  }
0x3c: {  	p2 =	seq.s32 s10, $0x1;
	s10 =	sld [smem:$0x3FB4]  }
0x3d: {  	_ =	shalt  }
0x3e: {  	_ =	shalt  }
0x3f: {  	_ =	shalt  }
0x40: {  	_ =	shalt  }
0x41: {  	_ =	shalt  }
0x42: {  	_ =	shalt  }
0x43: {  	_ =	shalt  }
0x44: {  	_ =	shalt  }
0x45: {  	_ =	shalt  }
0x46: {  	_ =	shalt  }
0x47: {  	_ =	shalt  }
0x48: {  	_ =	shalt  }
0x49: {  	_ =	shalt  }
0x4a: {  	_ =	shalt  }
0x4b: {  	_ =	shalt  }
0x4c: {  	_ =	shalt  }
0x4d: {  	_ =	shalt  }
0x4e: {  	_ =	shalt  }
0x4f: {  	_ =	shalt  }
0x50: {  	_ =	shalt  }
0x51: {  	_ =	shalt  }
0x52: {  	_ =	shalt  }
0x53: {  	_ =	shalt  }
0x54: {  	_ =	shalt  }
0x55: {  	_ =	shalt  }
0x56: {  	_ =	shalt  }
0x57: {  	_ =	shalt  }
0x58: {  	_ =	shalt  }
0x59: {  	_ =	shalt  }
0x5a: {  	_ =	shalt  }
0x5b: {  	_ =	shalt  }
0x5c: {  	_ =	shalt  }
0x5d: {  	_ =	shalt  }
0x5e: {  	_ =	shalt  }
0x5f: {  	_ =	shalt  }
0x60: {  	_ =	shalt  }
0x61: {  	_ =	shalt  }
0x62: {  	_ =	shalt  }
0x63: {  	_ =	shalt  }
0x64: {  	_ =	shalt  }
0x65: {  	_ =	shalt  }
0x66: {  	_ =	shalt  }
0x67: {  	_ =	shalt  }
0x68: {  	_ =	shalt  }
0x69: {  	_ =	shalt  }
0x6a: {  	_ =	shalt  }
0x6b: {  	_ =	shalt  }
0x6c: {  	_ =	shalt  }
0x6d: {  	_ =	shalt  }
0x6e: {  	_ =	shalt  }
0x6f: {  	_ =	shalt  }
0x70: {  	_ =	shalt  }
0x71: {  	_ =	shalt  }
0x72: {  	_ =	shalt  }
0x73: {  	_ =	shalt  }
0x74: {  	_ =	shalt  }
0x75: {  	_ =	shalt  }
0x76: {  	_ =	shalt  }
0x77: {  	_ =	shalt  }
0x78: {  	_ =	shalt  }
0x79: {  	_ =	shalt  }
0x7a: {  	_ =	shalt  }
0x7b: {  	_ =	shalt  }
0x7c: {  	_ =	shalt  }
0x7d: {  	_ =	shalt  }
0x7e: {  	_ =	shalt  }
0x7f: {  	_ =	shalt  }
0x80: {  	_ =	shalt  }
0x81: {  	_ =	shalt  }
0x82: {  	_ =	shalt  }
0x83: {  	_ =	shalt  }
0x84: {  	_ =	shalt  }
0x85: {  	_ =	shalt  }
0x86: {  	_ =	shalt  }
0x87: {  	_ =	shalt  }
.Lfunc_end0:
.L_simem_size_0:
called_computation_lowered:
.L_overlay_start_0:
0x88: {  	s2 =	sld [smem:$0x3FD9]  }
0x89: {  	s3 =	sld [smem:$0x3FFE];
	_ =	sdelay $0x1  }
0x8a: {  	s1 =	srdreg.scid  }
0x8b: {  	s0 =	sand.u32 $0x1, s1  }
0x8c: {  	s17 =	sshll.u32 s0, $0xA;
	s2 =	sadd.s32 s3, s2  }
0x8d: {  	s2 =	sadd.s32 s2, s17  }
0x8e: {  	[smem:$0x3FC0] =	sst s2  }
0x8f: {  	_ = 	snop  }
0x90: {  	s2 =	sld [smem:$0x3FC9]  }
0x91: {  	s18 =	sld [smem:$0x3FD0];
	(tm) =	ssettm $0x1  }
0x92: {  	s4 =	sld [smem:$0x3FFB];
	_ =	sdelay $0x3  }
0x93: {  	_ =	strace s4  }
0x94: {  	s4 =	sld [smem:$0x3FFC];
	_ =	sdelay $0x3  }
0x95: {  	_ =	strace s4  }
0x96: {  	s4 =	sld [smem:$0x3FFD];
	_ =	sdelay $0x3  }
0x97: {  	_ =	strace s4  }
0x98: {  	_ =	strace $0x8FFFFFFF  }
0x99: {  	s19 =	sld [smem:$0x3FDB];
	_ =	sdelay $0x1  }
0x9a: {  	s5 =	simm.s32 $_scs_section_size  }
0x9b: {  	s6 =	simm.s32 $_size__tile_overlayer_lowered;
	s7 =	simm.s32 $_tile_overlayer_lowered  }
0x9c: {  	s22 =	simm.s32 $0x1BFF;
	s21 =	sshll.u32 s7, $0x1;
	s4 =	sadd.s32 s5, s19  }
0x9d: {  	s8 =	simm.s32 $0x0;
	s20 =	sshll.u32 s6, $0x1;
	s6 =	sadd.s32 s21, s4  }
0x9e: {  	[timem:s8], [sflag:s22] =	dma.local [hbm:s6], s20  }
0x9f: {  	_ =	swait.ge [sflag:s22], s20  }
0xa0: {  	s5 =	ssub.s32 $0x0, s20;
	[sflag:s22] =	ssyncset.done $0x0  }
0xa1: {  	[sflag:s22] =	ssyncadd.s32 s5;
	_ =	sdelay $0x1  }
0xa2: {  	s23 =	simm.s32 $0x1B8B  }
0xa3: {  	_ =	swait.ge [sflag:s23], $0x1  }
0xa4: {  	[sflag:s23] =	ssyncset.done $0x0  }
0xa5: {  	s25 =	simm.s32 $0x1B8E;
	s24 =	sld [smem:$0x3FFE];
	[sflag:s23] =	ssyncadd.s32 $0xFFFFFFFF  }
0xa6: {  	s26 =	simm.s32 $execute0_lowered;
	[smem:$0x3FD2] =	sst s25  }
0xa7: {  	s6 =	sshll.u32 s26, $0x1;
	_ =	strace $0x80000046;
	[dreg:$0x1] =	wrdreg $0xFFFFFFFF  }
0xa8: {  	s28 =	simm.s32 $_size_execute0_lowered;
	s4 =	sadd.s32 s4, s6;
	[dreg:$0x0] =	wrdreg $0x0  }
0xa9: {  	s6 =	sshll.u32 s28, $0x1;
	[dreg:$0x2] =	wrdreg s4  }
0xaa: {  	[dreg:$0x3] =	wrdreg s6  }
0xab: {  	[dreg:$0x4] =	wrdreg $0xC0  }
0xac: {  	_ =	task [dreg:s8], $0x5FFFF  }
0xad: {  	[dreg:$0x1] =	wrdreg $0xFFFFFFFF  }
0xae: {  	[dreg:$0x0] =	wrdreg $0x60  }
0xaf: {  	[dreg:$0x2] =	wrdreg s2  }
0xb0: {  	[dreg:$0x3] =	wrdreg s24  }
0xb1: {  	[dreg:$0x4] =	wrdreg s18  }
0xb2: {  	[dreg:$0x5] =	wrdreg $0xB4000  }
0xb3: {  	[dreg:$0x6] =	wrdreg $0x152000  }
0xb4: {  	[dreg:$0x7] =	wrdreg $0x9  }
0xb5: {  	_ =	task.clear_ibuf [dreg:s8], $0x8FFFF;
	_ =	strace $0x90000046  }
0xb6: {  	s29 =	simm.s32 $0x9;
	_ =	strace $0x80000048  }
0xb7: {  	_ =	swait.ge [sflag:s29], $0x1  }
0xb8: {  	[sflag:s29] =	ssyncadd.s32 $0xFFFFFFFF  }
0xb9: {  	_ =	strace $0x90000048  }
0xba: {  	_ =	sfence  }
0xbb: {  	s30 =	sld [smem:$0x0];
	_ =	sdelay $0x2  }
0xbc: {  	s31 =	sshll.u32 s1, $0xD;
	s1 =	sshrl.u32 s1, $0x2  }
0xbd: {  	s3 =	sand.u32 $0x4000, s31;
	s1 =	sadd.s32 s1, s30  }
0xbe: {  	s0 =	sor.u32 s3, s0;
	s1 =	sshll.u32 s1, $0x11  }
0xbf: {  	s0 =	sor.u32 s1, s0  }
0xc0: {  	s0 =	sadd.s32 $0x8F2B, s0  }
0xc1: {  	[sflag:s0] =	ssyncadd.remote.s32 $0x1  }
0xc2: {  	_ =	sfence.sel $0xFFFF  }
0xc3: {  	[dreg:$0x0] =	wrdreg $0xFFFFFFFF;
	(pc) =	sbr.abs _section_cstart, $3  }
0xc4: {  	[dreg:$0x1] =	wrdreg $0xFFFFFFFF  }
0xc5: {  	_ =	task.clear_ibuf [dreg:s8], $0x2FFFF;
	_ =	strace $0x9FFFFFFF  }
0xc6: {  	(tm) =	ssettm $0x7FFFFFFF  }
0xc7: {  	_ =	shalt  }
tec
execute0_lowered:
.L_overlay_start_1:
0x0: {  	(tag) =	ssettag $0x1  }
0x1: {  	s0 =	rddreg [dreg:$0x0]  }
0x2: {  	s1 =	rddreg [dreg:$0x1]  }
0x3: {  	s5 =	rddreg [dreg:$0x2]  }
0x4: {  	s2 =	rddreg [dreg:$0x3];
	s14 =	stileid.u32  }
0x5: {  	s4 =	srdreg.scid;
	s3 =	rddreg [dreg:$0x4]  }
0x6: {  	s17 =	simm.s32 $0x3;
	s18 =	simm.s32 $0xA00;
	s19 =	simm.s32 $0x140  }
0x7: {  	s20 =	simm.s32 $0x1400;
	s21 =	simm.s32 $0x6400;
	s22 =	simm.s32 $0x1  }
0x8: {  	s23 =	simm.s32 $0x280;
	s28 =	simm.s32 $0xC80;
	s7 =	smul.u32 $0x9E00, s14  }
0x9: {  	s29 =	simm.s32 $0x500;
	s30 =	simm.s32 $0xDC0;
	s9 =	smul.u32 $0xA00, s14  }
0xa: {  	s31 =	simm.s32 $0x640;
	s6 =	sand.u32 $0x1, s4;
	s10 =	smul.u32 $0x13C00, s14  }
0xb: {  	s4 =	simm.s32 $0x0;
	s13 =	smul.u32 $0x27800, s14;
	p0 =	seq.s32 s14, $0xF  }
0xc: {  	s8 =	smul.u32 $0x9E000, s6;
	[smem:$0x7FF] =	sst s4;
	s11 =	ssub.s32 $0x2, s6  }
0xd: {  	s12 =	sshll.u32 s6, $0x6;
	s6 =	sshll.u32 s6, $0x3;
	_ =	strace $0x80000047  }
0xe: {  	s9 =	sadd.s32 s9, s1;
	s24 =	sshrl.u32 s11, $0x1;
	s10 =	sor.u32 s12, s10  }
0xf: {  	s25 =	sshrl.u32 s13, $0x2;
	s13 =	sadd.s32 $0x94200, s2;
	s26 =	sshrl.u32 s7, $0x3  }
0x10: {  	s8 =	sadd.s32 s7, s8;
	s10 =	sshrl.u32 s10, $0x3;
	s12 =	sadd.s32 s25, s2  }
0x11: {  	s7 =	sadd.s32 s7, s3;
	s5 =	sadd.s32 s5, s26;
	s25 =	simm.s32 $0xB40  }
0x12: {  	s26 =	simm.s32 $0x3C0;
	s8 =	sshrl.u32 s8, $0x3;
	s10 =	sadd.s32 s0, s10  }
0x13: {  	s0 =	sadd.s32 s6, s0;
	[dreg:$0x8] =	wrdreg s5;
	s5 =	sshrl.u32 @p0 s13, $0x3  }
0x14: {  	s16 =	sshrl.u32 s7, $0x3;
	s6 =	simm.s32 $0x8C0;
	s7 =	simm.s32 $0x1180  }
0x15: {  	s1 =	sadd.s32 s8, s1;
	s8 =	ssub.s32 s11, s24;
	[dreg:$0x6] =	wrdreg s10  }
0x16: {  	s0 =	sadd.s32 $0x25080, s0;
	s10 =	sadd.s32 $0x1000, s9;
	[dreg:$0xb] =	wrdreg s5  }
0x17: {  	s5 =	sshrl.u32 @!p0 s12, $0x3;
	s24 =	simm.s32 $0x2;
	[dreg:$0xe] =	wrdreg s16  }
0x18: {  	[dreg:$0x7] =	wrdreg s0;
	s1 =	sadd.s32 $0x15000, s1;
	s11 =	smax.u32 s8, $0x1  }
0x19: {  	[dreg:$0xd] =	wrdreg s5;
	s0 =	simm.s32 $0x780;
	s5 =	simm.s32 $0x1040  }
0x1a: {  	s8 =	simm.s32 $0x12C0;
	[dreg:$0x9] =	wrdreg s1;
	s1 =	sshll.u32 @!p0 s14, $0x6  }
0x1b: {  	[dreg:$0xa] =	wrdreg s11;
	s14 =	sshll.u32 s14, $0x6;
	s1 =	sor.u32 @!p0 $0x1C03, s1  }
0x1c: {  	s11 =	sadd.s32 $0xB000, s9;
	s15 =	sor.u32 $0x1C03, s14;
	[dreg:$0xc] =	wrdreg s1  }
0x1d: {  	s14 =	simm.s32 $0x0;
	s1 =	simm.s32 $0xF00;
	[dreg:$0xf] =	wrdreg s15  }
.LBB2_1:
0x1e: {  	[dreg:$0x10] =	wrdreg s14  }
0x1f: {  	s16 =	rddreg [dreg:$0x7]  }
0x20: {  	s15 =	simm.s32 @p0 $0x1FC3;
	s9 =	rddreg [dreg:$0xb]  }
0x21: {  	s12 =	simm.s32 @p0 $0x1;
	s14 =	simm.s32 @p0 $0x8;
	s13 =	simm.s32 @p0 $0x10  }
0x22: {  	[spmem:s9@s14], [sflag:s15] =	dma.strided @p0 [hbm:s16@s13], $0x1040, s12, $0x8   }
0x23: {  	s12 =	simm.s32 @p0 $0x3  }
0x24: {  	_ =	swait.ge @p0 [sflag:s12], $0x1040  }
0x25: {  	s13 =	simm.s32 @!p0 $0x8;
	s15 =	rddreg [dreg:$0x6]  }
0x26: {  	s14 =	simm.s32 @!p0 $0x10;
	[sflag:s12] =	ssyncset.done @p0 $0x0;
	s9 =	rddreg [dreg:$0xc]  }
0x27: {  	s16 =	rddreg [dreg:$0xd];
	[sflag:s12] =	ssyncadd.s32 @p0 $0xFFFFEFC0;
	s12 =	simm.s32 @!p0 $0x1  }
0x28: {  	[spmem:s16@s13], [sflag:s9] =	dma.strided @!p0 [hbm:s15@s14], $0x13C0, s12, $0x8   }
0x29: {  	s12 =	simm.s32 @!p0 $0x3  }
0x2a: {  	s9 =	rddreg [dreg:$0xf];
	_ =	swait.ge @!p0 [sflag:s12], $0x13C0  }
0x2b: {  	[sflag:s12] =	ssyncset.done @!p0 $0x0;
	s13 =	rddreg [dreg:$0x8]  }
0x2c: {  	s14 =	rddreg [dreg:$0xe];
	[sflag:s12] =	ssyncadd.s32 @!p0 $0xFFFFEC40  }
0x2d: {  	[spmem:s14], [sflag:s9] =	dma.local [hbm:s13], $0x13C0  }
0x2e: {  	_ =	swait.ge [sflag:s17], $0x13C0  }
0x2f: {  	[sflag:s17] =	ssyncset.done $0x0  }
0x30: {  	[sflag:s17] =	ssyncadd.s32 $0xFFFFEC40  }
0x31: {  	s15 =	sadd.s32 $0x0, s11;
	[bflag:$0x0] =	sbarrier.arrive $0xFFFF  }
0x32: {  	[tilespmem:s4], [sflag:$0x3] =	stream.linear.gather [hbm4b:s15+s4], $0xA00, $0x38;
	[tilespmem:$0x1F000] =	vst v63  }
0x33: {  	_ =	swait.ge [sflag:s17], $0xA00  }
0x34: {  	[sflag:s17] =	ssyncset.done $0x0  }
0x35: {  	s16 =	sadd.s32 $0x0, s10;
	[sflag:s17] =	ssyncadd.s32 $0xFFFFF600  }
0x36: {  	[tilespmem:s18], [sflag:$0x3] =	stream.linear.gather [hbm4b:s16+s4], $0xA00, $0x38;
	[tilespmem:$0x1F000] =	vst v63  }
0x37: {  	_ =	swait.ge [sflag:s17], $0xA00  }
0x38: {  	[sflag:s17] =	ssyncset.done $0x0  }
0x39: {  	[sflag:s17] =	ssyncadd.s32 $0xFFFFF600  }
0x3a: {  	[tilespmem:s20], [sflag:$0x1] =	stream.indirect.gather [spmem:s2], $0x40, s4, s19, $0xb8;
	[tilespmem:$0x1F000] =	vst v63  }
0x3b: {  	_ = 	snop  }
0x3c: {  	[tilespmem:s21], [sflag:$0x2] =	stream.indirect.gather [spmem:s2], $0x40, s19, s19, $0xb8;
	[tilespmem:$0x1F000] =	vst v63  }
0x3d: {  	_ =	swait.ge [sflag:s22], $0x5000  }
0x3e: {  	[sflag:s22] =	ssyncset.done $0x0  }
0x3f: {  	[sflag:s22] =	ssyncadd.s32 $0xFFFFB000  }
0x40: {  	[spmem:s3] =	stream.indirect.scatter.add.f32 [tilespmem:s20], [sflag:$0x3], $0x40, s18, s19, $0xb8;
	[tilespmem:$0x1F000] =	vst v63  }
0x41: {  	_ =	swait.ge [sflag:s17], $0x5000  }
0x42: {  	[sflag:s17] =	ssyncset.done $0x0  }
0x43: {  	[sflag:s17] =	ssyncadd.s32 $0xFFFFB000  }
0x44: {  	[tilespmem:s20], [sflag:$0x1] =	stream.indirect.gather [spmem:s2], $0x40, s23, s19, $0xb8;
	[tilespmem:$0x1F000] =	vst v63  }
0x45: {  	_ =	swait.ge [sflag:s24], $0x5000  }
0x46: {  	[sflag:s24] =	ssyncset.done $0x0  }
0x47: {  	[sflag:s24] =	ssyncadd.s32 $0xFFFFB000  }
0x48: {  	[spmem:s3] =	stream.indirect.scatter.add.f32 [tilespmem:s21], [sflag:$0x3], $0x40, s25, s19, $0xb8;
	[tilespmem:$0x1F000] =	vst v63  }
0x49: {  	_ =	swait.ge [sflag:s17], $0x5000  }
0x4a: {  	[sflag:s17] =	ssyncset.done $0x0  }
0x4b: {  	[sflag:s17] =	ssyncadd.s32 $0xFFFFB000  }
0x4c: {  	[tilespmem:s21], [sflag:$0x2] =	stream.indirect.gather [spmem:s2], $0x40, s26, s19, $0xb8;
	[tilespmem:$0x1F000] =	vst v63  }
0x4d: {  	_ =	swait.ge [sflag:s22], $0x5000  }
0x4e: {  	[sflag:s22] =	ssyncset.done $0x0  }
0x4f: {  	[sflag:s22] =	ssyncadd.s32 $0xFFFFB000  }
0x50: {  	[spmem:s3] =	stream.indirect.scatter.add.f32 [tilespmem:s20], [sflag:$0x3], $0x40, s28, s19, $0xb8;
	[tilespmem:$0x1F000] =	vst v63  }
0x51: {  	_ =	swait.ge [sflag:s17], $0x5000  }
0x52: {  	[sflag:s17] =	ssyncset.done $0x0  }
0x53: {  	[sflag:s17] =	ssyncadd.s32 $0xFFFFB000  }
0x54: {  	[tilespmem:s20], [sflag:$0x1] =	stream.indirect.gather [spmem:s2], $0x40, s29, s19, $0xb8;
	[tilespmem:$0x1F000] =	vst v63  }
0x55: {  	_ =	swait.ge [sflag:s24], $0x5000  }
0x56: {  	[sflag:s24] =	ssyncset.done $0x0  }
0x57: {  	[sflag:s24] =	ssyncadd.s32 $0xFFFFB000  }
0x58: {  	[spmem:s3] =	stream.indirect.scatter.add.f32 [tilespmem:s21], [sflag:$0x3], $0x40, s30, s19, $0xb8;
	[tilespmem:$0x1F000] =	vst v63  }
0x59: {  	_ =	swait.ge [sflag:s17], $0x5000  }
0x5a: {  	[sflag:s17] =	ssyncset.done $0x0  }
0x5b: {  	[sflag:s17] =	ssyncadd.s32 $0xFFFFB000  }
0x5c: {  	[tilespmem:s21], [sflag:$0x2] =	stream.indirect.gather [spmem:s2], $0x40, s31, s19, $0xb8;
	[tilespmem:$0x1F000] =	vst v63  }
0x5d: {  	_ =	swait.ge [sflag:s22], $0x5000  }
0x5e: {  	[sflag:s22] =	ssyncset.done $0x0  }
0x5f: {  	[sflag:s22] =	ssyncadd.s32 $0xFFFFB000  }
0x60: {  	[spmem:s3] =	stream.indirect.scatter.add.f32 [tilespmem:s20], [sflag:$0x3], $0x40, s1, s19, $0xb8;
	[tilespmem:$0x1F000] =	vst v63  }
0x61: {  	_ =	swait.ge [sflag:s17], $0x5000  }
0x62: {  	[sflag:s17] =	ssyncset.done $0x0  }
0x63: {  	[sflag:s17] =	ssyncadd.s32 $0xFFFFB000  }
0x64: {  	[tilespmem:s20], [sflag:$0x1] =	stream.indirect.gather [spmem:s2], $0x40, s0, s19, $0xb8;
	[tilespmem:$0x1F000] =	vst v63  }
0x65: {  	_ =	swait.ge [sflag:s24], $0x5000  }
0x66: {  	[sflag:s24] =	ssyncset.done $0x0  }
0x67: {  	[sflag:s24] =	ssyncadd.s32 $0xFFFFB000  }
0x68: {  	[spmem:s3] =	stream.indirect.scatter.add.f32 [tilespmem:s21], [sflag:$0x3], $0x40, s5, s19, $0xb8;
	[tilespmem:$0x1F000] =	vst v63  }
0x69: {  	_ =	swait.ge [sflag:s17], $0x5000  }
0x6a: {  	[sflag:s17] =	ssyncset.done $0x0  }
0x6b: {  	[sflag:s17] =	ssyncadd.s32 $0xFFFFB000  }
0x6c: {  	[tilespmem:s21], [sflag:$0x2] =	stream.indirect.gather [spmem:s2], $0x40, s6, s19, $0xb8;
	[tilespmem:$0x1F000] =	vst v63  }
0x6d: {  	_ =	swait.ge [sflag:s22], $0x5000  }
0x6e: {  	[sflag:s22] =	ssyncset.done $0x0  }
0x6f: {  	[sflag:s22] =	ssyncadd.s32 $0xFFFFB000  }
0x70: {  	[spmem:s3] =	stream.indirect.scatter.add.f32 [tilespmem:s20], [sflag:$0x3], $0x40, s7, s19, $0xb8;
	[tilespmem:$0x1F000] =	vst v63  }
0x71: {  	_ =	swait.ge [sflag:s17], $0x5000  }
0x72: {  	[sflag:s17] =	ssyncset.done $0x0  }
0x73: {  	[sflag:s17] =	ssyncadd.s32 $0xFFFFB000  }
0x74: {  	_ =	swait.ge [sflag:s24], $0x5000  }
0x75: {  	[sflag:s24] =	ssyncset.done $0x0  }
0x76: {  	[sflag:s24] =	ssyncadd.s32 $0xFFFFB000  }
0x77: {  	[spmem:s3] =	stream.indirect.scatter.add.f32 [tilespmem:s21], [sflag:$0x3], $0x40, s8, s19, $0xb8;
	[tilespmem:$0x1F000] =	vst v63  }
0x78: {  	_ =	swait.ge [sflag:s17], $0x5000  }
0x79: {  	s12 =	simm.s32 $0x140;
	s13 =	simm.s32 $0x280;
	[sflag:s17] =	ssyncset.done $0x0  }
.LBB2_2:
0x7a: {  	s15 =	sadd.s32 s12, s11  }
0x7b: {  	[sflag:s17] =	ssyncadd.s32 $0xFFFFB000;
	s16 =	smov.u32 s13;
	s14 =	sadd.s32 $0x140, s13  }
0x7c: {  	[tilespmem:s4], [sflag:$0x3] =	stream.linear.gather [hbm4b:s15+s4], $0xA00, $0x38;
	[tilespmem:$0x1F000] =	vst v63  }
0x7d: {  	p1 =	sne.s32 s13, $0x8C0;
	_ =	swait.ge [sflag:s17], $0xA00  }
0x7e: {  	[sflag:s17] =	ssyncset.done $0x0  }
0x7f: {  	s13 =	sadd.s32 s12, s10;
	s12 =	smov.u32 s16;
	[sflag:s17] =	ssyncadd.s32 $0xFFFFF600  }
0x80: {  	[tilespmem:s18], [sflag:$0x3] =	stream.linear.gather [hbm4b:s13+s4], $0xA00, $0x38;
	[tilespmem:$0x1F000] =	vst v63  }
0x81: {  	_ =	swait.ge [sflag:s17], $0xA00  }
0x82: {  	[sflag:s17] =	ssyncset.done $0x0  }
0x83: {  	[sflag:s17] =	ssyncadd.s32 $0xFFFFF600  }
0x84: {  	[tilespmem:s20], [sflag:$0x1] =	stream.indirect.gather [spmem:s2], $0x40, s4, s19, $0xb8;
	[tilespmem:$0x1F000] =	vst v63  }
0x85: {  	_ = 	snop  }
0x86: {  	[tilespmem:s21], [sflag:$0x2] =	stream.indirect.gather [spmem:s2], $0x40, s19, s19, $0xb8;
	[tilespmem:$0x1F000] =	vst v63  }
0x87: {  	_ =	swait.ge [sflag:s22], $0x5000  }
0x88: {  	[sflag:s22] =	ssyncset.done $0x0  }
0x89: {  	[sflag:s22] =	ssyncadd.s32 $0xFFFFB000  }
0x8a: {  	[spmem:s3] =	stream.indirect.scatter.add.f32 [tilespmem:s20], [sflag:$0x3], $0x40, s18, s19, $0xb8;
	[tilespmem:$0x1F000] =	vst v63  }
0x8b: {  	_ =	swait.ge [sflag:s17], $0x5000  }
0x8c: {  	[sflag:s17] =	ssyncset.done $0x0  }
0x8d: {  	[sflag:s17] =	ssyncadd.s32 $0xFFFFB000  }
0x8e: {  	[tilespmem:s20], [sflag:$0x1] =	stream.indirect.gather [spmem:s2], $0x40, s23, s19, $0xb8;
	[tilespmem:$0x1F000] =	vst v63  }
0x8f: {  	_ =	swait.ge [sflag:s24], $0x5000  }
0x90: {  	[sflag:s24] =	ssyncset.done $0x0  }
0x91: {  	[sflag:s24] =	ssyncadd.s32 $0xFFFFB000  }
0x92: {  	[spmem:s3] =	stream.indirect.scatter.add.f32 [tilespmem:s21], [sflag:$0x3], $0x40, s25, s19, $0xb8;
	[tilespmem:$0x1F000] =	vst v63  }
0x93: {  	_ =	swait.ge [sflag:s17], $0x5000  }
0x94: {  	[sflag:s17] =	ssyncset.done $0x0  }
0x95: {  	[sflag:s17] =	ssyncadd.s32 $0xFFFFB000  }
0x96: {  	[tilespmem:s21], [sflag:$0x2] =	stream.indirect.gather [spmem:s2], $0x40, s26, s19, $0xb8;
	[tilespmem:$0x1F000] =	vst v63  }
0x97: {  	_ =	swait.ge [sflag:s22], $0x5000  }
0x98: {  	[sflag:s22] =	ssyncset.done $0x0  }
0x99: {  	[sflag:s22] =	ssyncadd.s32 $0xFFFFB000  }
0x9a: {  	[spmem:s3] =	stream.indirect.scatter.add.f32 [tilespmem:s20], [sflag:$0x3], $0x40, s28, s19, $0xb8;
	[tilespmem:$0x1F000] =	vst v63  }
0x9b: {  	_ =	swait.ge [sflag:s17], $0x5000  }
0x9c: {  	[sflag:s17] =	ssyncset.done $0x0  }
0x9d: {  	[sflag:s17] =	ssyncadd.s32 $0xFFFFB000  }
0x9e: {  	[tilespmem:s20], [sflag:$0x1] =	stream.indirect.gather [spmem:s2], $0x40, s29, s19, $0xb8;
	[tilespmem:$0x1F000] =	vst v63  }
0x9f: {  	_ =	swait.ge [sflag:s24], $0x5000  }
0xa0: {  	[sflag:s24] =	ssyncset.done $0x0  }
0xa1: {  	[sflag:s24] =	ssyncadd.s32 $0xFFFFB000  }
0xa2: {  	[spmem:s3] =	stream.indirect.scatter.add.f32 [tilespmem:s21], [sflag:$0x3], $0x40, s30, s19, $0xb8;
	[tilespmem:$0x1F000] =	vst v63  }
0xa3: {  	_ =	swait.ge [sflag:s17], $0x5000  }
0xa4: {  	[sflag:s17] =	ssyncset.done $0x0  }
0xa5: {  	[sflag:s17] =	ssyncadd.s32 $0xFFFFB000  }
0xa6: {  	[tilespmem:s21], [sflag:$0x2] =	stream.indirect.gather [spmem:s2], $0x40, s31, s19, $0xb8;
	[tilespmem:$0x1F000] =	vst v63  }
0xa7: {  	_ =	swait.ge [sflag:s22], $0x5000  }
0xa8: {  	[sflag:s22] =	ssyncset.done $0x0  }
0xa9: {  	[sflag:s22] =	ssyncadd.s32 $0xFFFFB000  }
0xaa: {  	[spmem:s3] =	stream.indirect.scatter.add.f32 [tilespmem:s20], [sflag:$0x3], $0x40, s1, s19, $0xb8;
	[tilespmem:$0x1F000] =	vst v63  }
0xab: {  	_ =	swait.ge [sflag:s17], $0x5000  }
0xac: {  	[sflag:s17] =	ssyncset.done $0x0  }
0xad: {  	[sflag:s17] =	ssyncadd.s32 $0xFFFFB000  }
0xae: {  	[tilespmem:s20], [sflag:$0x1] =	stream.indirect.gather [spmem:s2], $0x40, s0, s19, $0xb8;
	[tilespmem:$0x1F000] =	vst v63  }
0xaf: {  	_ =	swait.ge [sflag:s24], $0x5000  }
0xb0: {  	[sflag:s24] =	ssyncset.done $0x0  }
0xb1: {  	[sflag:s24] =	ssyncadd.s32 $0xFFFFB000  }
0xb2: {  	[spmem:s3] =	stream.indirect.scatter.add.f32 [tilespmem:s21], [sflag:$0x3], $0x40, s5, s19, $0xb8;
	[tilespmem:$0x1F000] =	vst v63  }
0xb3: {  	_ =	swait.ge [sflag:s17], $0x5000  }
0xb4: {  	[sflag:s17] =	ssyncset.done $0x0  }
0xb5: {  	[sflag:s17] =	ssyncadd.s32 $0xFFFFB000  }
0xb6: {  	[tilespmem:s21], [sflag:$0x2] =	stream.indirect.gather [spmem:s2], $0x40, s6, s19, $0xb8;
	[tilespmem:$0x1F000] =	vst v63  }
0xb7: {  	_ =	swait.ge [sflag:s22], $0x5000  }
0xb8: {  	[sflag:s22] =	ssyncset.done $0x0  }
0xb9: {  	[sflag:s22] =	ssyncadd.s32 $0xFFFFB000  }
0xba: {  	[spmem:s3] =	stream.indirect.scatter.add.f32 [tilespmem:s20], [sflag:$0x3], $0x40, s7, s19, $0xb8;
	[tilespmem:$0x1F000] =	vst v63  }
0xbb: {  	_ =	swait.ge [sflag:s17], $0x5000  }
0xbc: {  	[sflag:s17] =	ssyncset.done $0x0  }
0xbd: {  	[sflag:s17] =	ssyncadd.s32 $0xFFFFB000  }
0xbe: {  	_ =	swait.ge [sflag:s24], $0x5000  }
.Ltmp0:
0xbf: {  	[sflag:s24] =	ssyncset.done $0x0;
	(pc) =	sbr.rel @p1 .LBB2_2-.Ltmp0, $4  }
0xc0: {  	[sflag:s24] =	ssyncadd.s32 $0xFFFFB000  }
0xc1: {  	[spmem:s3] =	stream.indirect.scatter.add.f32 [tilespmem:s21], [sflag:$0x3], $0x40, s8, s19, $0xb8;
	[tilespmem:$0x1F000] =	vst v63  }
0xc2: {  	_ =	swait.ge [sflag:s17], $0x5000  }
0xc3: {  	s13 =	smov.u32 s14;
	[sflag:s17] =	ssyncset.done $0x0  }
0xc4: {  	s13 =	sadd.s32 s12, s11;
	[sflag:s17] =	ssyncadd.s32 $0xFFFFB000  }
0xc5: {  	[tilespmem:s4], [sflag:$0x3] =	stream.linear.gather [hbm4b:s13+s4], $0xA00, $0x38;
	[tilespmem:$0x1F000] =	vst v63  }
0xc6: {  	_ =	swait.ge [sflag:s17], $0xA00  }
0xc7: {  	[sflag:s17] =	ssyncset.done $0x0  }
0xc8: {  	s13 =	sadd.s32 s12, s10;
	[sflag:s17] =	ssyncadd.s32 $0xFFFFF600  }
0xc9: {  	[tilespmem:s18], [sflag:$0x3] =	stream.linear.gather [hbm4b:s13+s4], $0xA00, $0x38;
	[tilespmem:$0x1F000] =	vst v63  }
0xca: {  	_ =	swait.ge [sflag:s17], $0xA00  }
0xcb: {  	[sflag:s17] =	ssyncset.done $0x0  }
0xcc: {  	[sflag:s17] =	ssyncadd.s32 $0xFFFFF600  }
0xcd: {  	[tilespmem:s20], [sflag:$0x1] =	stream.indirect.gather [spmem:s2], $0x40, s4, s19, $0xb8;
	[tilespmem:$0x1F000] =	vst v63  }
0xce: {  	_ = 	snop  }
0xcf: {  	[tilespmem:s21], [sflag:$0x2] =	stream.indirect.gather [spmem:s2], $0x40, s19, s19, $0xb8;
	[tilespmem:$0x1F000] =	vst v63  }
0xd0: {  	_ =	swait.ge [sflag:s22], $0x5000  }
0xd1: {  	[sflag:s22] =	ssyncset.done $0x0  }
0xd2: {  	[sflag:s22] =	ssyncadd.s32 $0xFFFFB000  }
0xd3: {  	[spmem:s3] =	stream.indirect.scatter.add.f32 [tilespmem:s20], [sflag:$0x3], $0x40, s18, s19, $0xb8;
	[tilespmem:$0x1F000] =	vst v63  }
0xd4: {  	_ =	swait.ge [sflag:s17], $0x5000  }
0xd5: {  	[sflag:s17] =	ssyncset.done $0x0  }
0xd6: {  	[sflag:s17] =	ssyncadd.s32 $0xFFFFB000  }
0xd7: {  	[tilespmem:s20], [sflag:$0x1] =	stream.indirect.gather [spmem:s2], $0x40, s23, s19, $0xb8;
	[tilespmem:$0x1F000] =	vst v63  }
0xd8: {  	_ =	swait.ge [sflag:s24], $0x5000  }
0xd9: {  	[sflag:s24] =	ssyncset.done $0x0  }
0xda: {  	[sflag:s24] =	ssyncadd.s32 $0xFFFFB000  }
0xdb: {  	[spmem:s3] =	stream.indirect.scatter.add.f32 [tilespmem:s21], [sflag:$0x3], $0x40, s25, s19, $0xb8;
	[tilespmem:$0x1F000] =	vst v63  }
0xdc: {  	_ =	swait.ge [sflag:s17], $0x5000  }
0xdd: {  	[sflag:s17] =	ssyncset.done $0x0  }
0xde: {  	[sflag:s17] =	ssyncadd.s32 $0xFFFFB000  }
0xdf: {  	[tilespmem:s21], [sflag:$0x2] =	stream.indirect.gather [spmem:s2], $0x40, s26, s19, $0xb8;
	[tilespmem:$0x1F000] =	vst v63  }
0xe0: {  	_ =	swait.ge [sflag:s22], $0x5000  }
0xe1: {  	[sflag:s22] =	ssyncset.done $0x0  }
0xe2: {  	[sflag:s22] =	ssyncadd.s32 $0xFFFFB000  }
0xe3: {  	[spmem:s3] =	stream.indirect.scatter.add.f32 [tilespmem:s20], [sflag:$0x3], $0x40, s28, s19, $0xb8;
	[tilespmem:$0x1F000] =	vst v63  }
0xe4: {  	_ =	swait.ge [sflag:s17], $0x5000  }
0xe5: {  	[sflag:s17] =	ssyncset.done $0x0  }
0xe6: {  	[sflag:s17] =	ssyncadd.s32 $0xFFFFB000  }
0xe7: {  	[tilespmem:s20], [sflag:$0x1] =	stream.indirect.gather [spmem:s2], $0x40, s29, s19, $0xb8;
	[tilespmem:$0x1F000] =	vst v63  }
0xe8: {  	_ =	swait.ge [sflag:s24], $0x5000  }
0xe9: {  	[sflag:s24] =	ssyncset.done $0x0  }
0xea: {  	[sflag:s24] =	ssyncadd.s32 $0xFFFFB000  }
0xeb: {  	[spmem:s3] =	stream.indirect.scatter.add.f32 [tilespmem:s21], [sflag:$0x3], $0x40, s30, s19, $0xb8;
	[tilespmem:$0x1F000] =	vst v63  }
0xec: {  	_ =	swait.ge [sflag:s17], $0x5000  }
0xed: {  	[sflag:s17] =	ssyncset.done $0x0  }
0xee: {  	[sflag:s17] =	ssyncadd.s32 $0xFFFFB000  }
0xef: {  	[tilespmem:s21], [sflag:$0x2] =	stream.indirect.gather [spmem:s2], $0x40, s31, s19, $0xb8;
	[tilespmem:$0x1F000] =	vst v63  }
0xf0: {  	_ =	swait.ge [sflag:s22], $0x5000  }
0xf1: {  	[sflag:s22] =	ssyncset.done $0x0  }
0xf2: {  	[sflag:s22] =	ssyncadd.s32 $0xFFFFB000  }
0xf3: {  	[spmem:s3] =	stream.indirect.scatter.add.f32 [tilespmem:s20], [sflag:$0x3], $0x40, s1, s19, $0xb8;
	[tilespmem:$0x1F000] =	vst v63  }
0xf4: {  	_ =	swait.ge [sflag:s17], $0x5000  }
0xf5: {  	[sflag:s17] =	ssyncset.done $0x0  }
0xf6: {  	[sflag:s17] =	ssyncadd.s32 $0xFFFFB000  }
0xf7: {  	[tilespmem:s20], [sflag:$0x1] =	stream.indirect.gather [spmem:s2], $0x40, s0, s19, $0xb8;
	[tilespmem:$0x1F000] =	vst v63  }
0xf8: {  	_ =	swait.ge [sflag:s24], $0x5000  }
0xf9: {  	[sflag:s24] =	ssyncset.done $0x0  }
0xfa: {  	[sflag:s24] =	ssyncadd.s32 $0xFFFFB000  }
0xfb: {  	[spmem:s3] =	stream.indirect.scatter.add.f32 [tilespmem:s21], [sflag:$0x3], $0x40, s5, s19, $0xb8;
	[tilespmem:$0x1F000] =	vst v63  }
0xfc: {  	_ =	swait.ge [sflag:s17], $0x5000  }
0xfd: {  	[sflag:s17] =	ssyncset.done $0x0  }
0xfe: {  	[sflag:s17] =	ssyncadd.s32 $0xFFFFB000  }
0xff: {  	[tilespmem:s21], [sflag:$0x2] =	stream.indirect.gather [spmem:s2], $0x40, s6, s19, $0xb8;
	[tilespmem:$0x1F000] =	vst v63  }
0x100: {  	_ =	swait.ge [sflag:s22], $0x5000  }
0x101: {  	[sflag:s22] =	ssyncset.done $0x0  }
0x102: {  	[sflag:s22] =	ssyncadd.s32 $0xFFFFB000  }
0x103: {  	[spmem:s3] =	stream.indirect.scatter.add.f32 [tilespmem:s20], [sflag:$0x3], $0x40, s7, s19, $0xb8;
	[tilespmem:$0x1F000] =	vst v63  }
0x104: {  	_ =	swait.ge [sflag:s17], $0x5000  }
0x105: {  	[sflag:s17] =	ssyncset.done $0x0  }
0x106: {  	[sflag:s17] =	ssyncadd.s32 $0xFFFFB000  }
0x107: {  	_ =	swait.ge [sflag:s24], $0x5000  }
0x108: {  	[sflag:s24] =	ssyncset.done $0x0  }
0x109: {  	[sflag:s24] =	ssyncadd.s32 $0xFFFFB000  }
0x10a: {  	[spmem:s3] =	stream.indirect.scatter.add.f32 [tilespmem:s21], [sflag:$0x3], $0x40, s8, s19, $0xb8;
	[tilespmem:$0x1F000] =	vst v63  }
0x10b: {  	_ =	swait.ge [sflag:s17], $0x5000  }
0x10c: {  	[sflag:s17] =	ssyncset.done $0x0  }
0x10d: {  	[sflag:s17] =	ssyncadd.s32 $0xFFFFB000  }
0x10e: {  	[bflag:$0x0] =	sbarrier.arrive $0xFFFF  }
0x10f: {  	s14 =	rddreg [dreg:$0x9]  }
0x110: {  	s15 =	rddreg [dreg:$0xe]  }
0x111: {  	[hbm:s14], [sflag:s9] =	dma.local [spmem:s15], $0x13C0  }
0x112: {  	_ =	swait.ge [sflag:s17], $0x13C0  }
0x113: {  	s14 =	rddreg [dreg:$0x10]  }
0x114: {  	s16 =	rddreg [dreg:$0xa];
	s14 =	sadd.s32 $0x1, s14  }
0x115: {  	p1 =	sne.s32 s14, s16  }
.Ltmp1:
0x116: {  	_ = 	snop;
	(pc) =	sbr.rel @p1 .LBB2_1-.Ltmp1, $3  }
0x117: {  	_ =	sdelay $0x1  }
0x118: {  	[sflag:s17] =	ssyncset.done $0x0  }
0x119: {  	[sflag:s17] =	ssyncadd.s32 $0xFFFFEC40  }
0x11a: {  	_ =	sfence.sel $0x180000  }
0x11b: {  	[bflag:$0x0] =	sbarrier.arrive $0xFFFF  }
0x11c: {  	_ =	strace $0x90000047  }
0x11d: {  	s0 =	stileid.u32;
	[bflag:$0x2] =	sbarrier.arrive $0xFFFF  }
0x11e: {  	p0 =	sne.s32 s0, $0x0;
	s0 =	rddreg [dreg:$0x5]  }
0x11f: {  	s0 =	sadd.s32 @!p0 $0x100000, s0  }
0x120: {  	[sflag:s0] =	ssyncadd.tile.s32 @!p0 $0x1;
	_ =	shalt  }
.Lfunc_end2:
_tile_overlayer_lowered:
.L_overlay_start_2:
0x121: {  	(tag) =	ssettag $0x2  }
0x122: {  	s0 =	rddreg [dreg:$0x0];
	s2 =	stileid.u32  }
0x123: {  	s1 =	rddreg [dreg:$0x1];
	p0 =	sne.s32 s2, $0x0  }
0x124: {  	s3 =	rddreg [dreg:$0x2];
	[bflag:$0x3] =	sbarrier.arrive $0xFFFF;
	s2 =	simm.s32 @!p0 $0x1C03  }
0x125: {  	[timem:s3], [sflag:s2] =	dma.local @!p0 [hbm:s0], s1  }
0x126: {  	s0 =	simm.s32 @!p0 $0x3  }
0x127: {  	_ =	swait.ge @!p0 [sflag:s0], s1  }
0x128: {  	s1 =	ssub.s32 @!p0 $0x0, s1;
	[sflag:s0] =	ssyncset.done @!p0 $0x0  }
0x129: {  	[sflag:s0] =	ssyncadd.s32 @!p0 s1  }
0x12a: {  	[bflag:$0x3] =	sbarrier.arrive $0xFFFF  }
0x12b: {  	_ =	shalt  }

</sc_bundles>
